<compile_context>
chip_gen: v7x
topology: tpu7x:2x2x1
jax: 0.10.2.dev20260603
libtpu: 0.0.44.dev20260713+nightly
codegen_flags: <defaults>
</compile_context>

<pallas_src>
import functools

import jax
import jax.numpy as jnp
from jax import lax
from jax.experimental import pallas as pl
from jax.experimental.pallas import tpu as pltpu
from jax.experimental.pallas import tpu_sc as plsc

N = 16000
C = 81
C4 = 4 * C
EPS = 1e-7

NC, NS, L = 2, 16, 16
NW = NC * NS
NPAD = 16384
RPW = NPAD // NW
NBLK = 5
BN = N // NBLK


def _sigmoid(x):
    return 1.0 / (1.0 + jnp.exp(-x))


def _stats_body(ts_ref, os_ref, nl_ref, lab_ref, w_ref, w2_ref, aux_ref, wflat_ref, acc_ref):
    i = pl.program_id(0)
    ts = ts_ref[...]
    osv = os_ref[...]
    r = jnp.sum(osv, axis=1)
    p = jnp.sum(ts * osv, axis=1)
    cidx = lax.broadcasted_iota(jnp.int32, (BN, C), 1).astype(jnp.float32)
    labf = jnp.sum(ts * cidx, axis=1)
    lab_ref[pl.ds(i * BN, BN)] = labf.astype(jnp.int32)
    q = jnp.clip(p / r, EPS, 1.0 - EPS)
    nl_ref[pl.ds(i * BN, BN)] = -jnp.log(q)

    @pl.when(i == 0)
    def _():
        acc_ref[...] = jnp.zeros_like(acc_ref)

    acc_ref[0:1, 0:C] += jnp.sum(ts, axis=0, keepdims=True)

    @pl.when(i == NBLK - 1)
    def _():
        lab_ref[pl.ds(N, NPAD - N)] = jnp.zeros((NPAD - N,), jnp.int32)
        nl_ref[pl.ds(N, NPAD - N)] = jnp.zeros((NPAD - N,), jnp.float32)
        counts = acc_ref[...]
        ntot = jnp.sum(counts)
        npos = ntot - acc_ref[0, 0]
        w = _sigmoid(ntot / jnp.maximum(counts, EPS))
        w2 = _sigmoid(npos / jnp.maximum(counts, EPS))
        lane = lax.broadcasted_iota(jnp.int32, (1, 128), 1)
        w2 = jnp.where(lane == 0, 0.0, w2)
        w_ref[...] = w
        w2_ref[...] = w2
        wflat_ref[...] = w.reshape(128)
        inv_pos = 1.0 / jnp.maximum(EPS, npos)
        aux_ref[...] = jnp.full((1, 16), inv_pos, jnp.float32)


_stats_call = pl.pallas_call(
    _stats_body,
    grid=(NBLK,),
    in_specs=[
        pl.BlockSpec((BN, C), lambda i: (i, 0)),
        pl.BlockSpec((BN, C), lambda i: (i, 0)),
    ],
    out_specs=[
        pl.BlockSpec((NPAD,), lambda i: (0,)),
        pl.BlockSpec((NPAD,), lambda i: (0,)),
        pl.BlockSpec((1, 128), lambda i: (0, 0)),
        pl.BlockSpec((1, 128), lambda i: (0, 0)),
        pl.BlockSpec((1, 16), lambda i: (0, 0)),
        pl.BlockSpec((128,), lambda i: (0,)),
    ],
    out_shape=[
        jax.ShapeDtypeStruct((NPAD,), jnp.float32),
        jax.ShapeDtypeStruct((NPAD,), jnp.int32),
        jax.ShapeDtypeStruct((1, 128), jnp.float32),
        jax.ShapeDtypeStruct((1, 128), jnp.float32),
        jax.ShapeDtypeStruct((1, 16), jnp.float32),
        jax.ShapeDtypeStruct((128,), jnp.float32),
    ],
    scratch_shapes=[pltpu.VMEM((1, 128), jnp.float32)],
)


def _reg_body(od_ref, td_ref, ts_ref, w2_ref, aux_ref, out_ref, acc_ref):
    i = pl.program_id(0)
    od = od_ref[...]
    td = td_ref[...]
    ts = ts_ref[...]
    cc4 = lax.broadcasted_iota(jnp.int32, (C, C4), 1) >> 2
    cr = lax.broadcasted_iota(jnp.int32, (C, C4), 0)
    rmat = (cc4 == cr).astype(jnp.float32)
    w2v = w2_ref[...]
    w2rep = jnp.dot(w2v[:, :C], rmat)
    wfull = jnp.dot(ts, rmat) * w2rep
    d = jnp.abs(od - td) * wfull
    sl = jnp.where(d < 1.0, 0.5 * d * d, d - 0.5)

    @pl.when(i == 0)
    def _():
        acc_ref[0, 0] = 0.0

    acc_ref[0, 0] += jnp.sum(sl)

    @pl.when(i == NBLK - 1)
    def _():
        out_ref[0, 0] = acc_ref[0, 0] * aux_ref[0, 0]


_reg_call = pl.pallas_call(
    _reg_body,
    grid=(NBLK,),
    in_specs=[
        pl.BlockSpec((BN, C4), lambda i: (i, 0)),
        pl.BlockSpec((BN, C4), lambda i: (i, 0)),
        pl.BlockSpec((BN, C), lambda i: (i, 0)),
        pl.BlockSpec((1, 128), lambda i: (0, 0)),
        pl.BlockSpec((1, 16), lambda i: (0, 0)),
    ],
    out_specs=pl.BlockSpec(memory_space=pltpu.SMEM),
    out_shape=jax.ShapeDtypeStruct((1, 1), jnp.float32),
    scratch_shapes=[pltpu.SMEM((1, 1), jnp.float32)],
)


_sc_mesh = plsc.VectorSubcoreMesh(core_axis_name="c", subcore_axis_name="s")


@functools.partial(
    pl.kernel,
    out_type=jax.ShapeDtypeStruct((NW, 16), jnp.float32),
    mesh=_sc_mesh,
    scratch_types=[
        pltpu.VMEM((RPW,), jnp.int32),
        pltpu.VMEM((RPW,), jnp.float32),
        pltpu.VMEM((128,), jnp.float32),
        pltpu.VMEM((16,), jnp.float32),
    ],
    compiler_params=pltpu.CompilerParams(
        needs_layout_passes=False, use_tc_tiling_on_sc=False
    ),
)
def _cls_call(lab_hbm, nl_hbm, w_hbm, out_hbm, lab_v, nl_v, w_v, out_v):
    wid = lax.axis_index("s") * NC + lax.axis_index("c")
    base = wid * RPW
    pltpu.sync_copy(lab_hbm.at[pl.ds(base, RPW)], lab_v)
    pltpu.sync_copy(nl_hbm.at[pl.ds(base, RPW)], nl_v)
    pltpu.sync_copy(w_hbm, w_v)

    cacc = jnp.zeros((L,), jnp.float32)
    for m in range(RPW // L):
        lab16 = lab_v[pl.ds(m * L, L)]
        wv = plsc.load_gather(w_v, [lab16])
        cacc = cacc + nl_v[pl.ds(m * L, L)] * wv

    out_v[...] = cacc * (1.0 / N)
    pltpu.sync_copy(out_v, out_hbm.at[wid])


def kernel(target_deltas, target_scores, output_deltas, output_scores):
    ts2 = target_scores.reshape(N, C)
    os2 = output_scores.reshape(N, C)
    nl, lab, w, w2, aux, wflat = _stats_call(ts2, os2)
    od2 = output_deltas.reshape(N, C4)
    td2 = target_deltas.reshape(N, C4)
    reg = _reg_call(od2, td2, ts2, w2, aux)
    cls_parts = _cls_call(lab, nl, wflat)
    return jnp.sum(cls_parts) + reg[0, 0]

# --- scband reference (transcript-rebuilt; emitter-appended) ---
"""Pipeline reference for scband-rcnn-24575802867991 (READ-ONLY COPY).

The authoritative reference and input builder live on the scoring server;
editing this copy changes nothing except your own understanding.
"""

import jax, jax.numpy as jnp
import numpy as np

B = 1
N = 16000
C = 81
EPS = 1e-7


def setup_inputs(seed: int = 0):
    key = jax.random.key(seed)
    k1, k2, k3, k4 = jax.random.split(key, 4)
    target_deltas = jax.random.normal(k1, (B, N, 4 * C), dtype=jnp.float32)
    labels = jax.random.randint(k2, (B, N), 0, C)
    target_scores = jax.nn.one_hot(labels, C, dtype=jnp.float32)
    output_deltas = jax.random.normal(k3, (B, N, 4 * C), dtype=jnp.float32)
    output_scores = jax.random.uniform(k4, (B, N, C), dtype=jnp.float32, minval=1e-3, maxval=1.0)
    return {"target_deltas": target_deltas, "target_scores": target_scores, "output_deltas": output_deltas, "output_scores": output_scores}


def _softmax_classification(output, target, weights):
    # keras_rcnn.backend.softmax_classification with anchored=True
    classes = output.shape[-1]
    output = output.reshape(-1, classes)
    target = target.reshape(-1, classes)
    weights = weights.reshape(-1)
    output = output / jnp.sum(output, axis=-1, keepdims=True)
    output = jnp.clip(output, EPS, 1.0 - EPS)
    loss = -jnp.sum(target * jnp.log(output), axis=-1)
    return loss * weights


def _smooth_l1(output, target):
    diff = jnp.abs(output - target)
    return jnp.where(diff < 1.0, 0.5 * jnp.square(diff), diff - 0.5)


def _classification_loss(output_scores, target_scores):
    w = jnp.sum(target_scores, axis=1)                       # [B, C]
    w = jnp.sum(target_scores) / jnp.maximum(w, EPS)          # [B, C]
    w = 1.0 / (1.0 + jnp.exp(-w))                             # sigmoid
    w_anchor = jnp.sum(target_scores * w, axis=-1)            # [B, N] (B==1 broadcast as in keras)
    loss = _softmax_classification(output_scores, target_scores, w_anchor)
    return jnp.mean(loss)


def _regression_loss(output_deltas, target_deltas, target_scores):
    od = output_deltas[:, :, 4:]                              # drop background deltas
    td = target_deltas[:, :, 4:]
    ts = target_scores[:, :, 1:]                              # drop background class
    w = jnp.sum(ts, axis=1)                                   # [B, C-1]
    w = jnp.sum(ts) / jnp.maximum(w, EPS)
    w = 1.0 / (1.0 + jnp.exp(-w))
    w_anchor = jnp.sum(ts * w, axis=-1)                       # [B, N]
    # Dense equivalent of where(ts==1) -> gather_nd -> tile -> scatter_add_tensor:
    # labels[b, n, 4*c + j] = (ts[b, n, c] == 1) * w_anchor[b, n]
    mask = (ts == 1.0).astype(jnp.float32)                    # [B, N, C-1]
    labels = jnp.repeat(mask, 4, axis=-1) * w_anchor[:, :, None]
    loss = _smooth_l1(od * labels, td * labels)
    return jnp.sum(loss) / jnp.maximum(EPS, jnp.sum(ts))


def reference(target_deltas, target_scores, output_deltas, output_scores):
    # Shapes of targets and outputs match, so tf.cond takes the `backward`
    # branch: loss = classification_loss + regression_loss (added via add_loss).
    return _classification_loss(output_scores, target_scores) + _regression_loss(output_deltas, target_deltas, target_scores)

if __name__ == "__main__":
    import jax
    _d = setup_inputs()
    print(jax.jit(kernel)(*tuple(_d.values())))

</pallas_src>

<mosaic_0001>
#map = affine_map<(d0, d1) -> (0)>
#map1 = affine_map<(d0, d1) -> (0, 0)>
module attributes {stable_mosaic.version = 14 : i64} {
  func.func @_cls_call(%arg0: i32, %arg1: i32, %arg2: memref<16384xi32, #tpu.memory_space<hbm>>, %arg3: memref<16384xf32, #tpu.memory_space<hbm>>, %arg4: memref<128xf32, #tpu.memory_space<hbm>>, %arg5: memref<32x16xf32, #tpu.memory_space<hbm>>, %arg6: memref<512xi32, #tpu.memory_space<vmem>>, %arg7: memref<512xf32, #tpu.memory_space<vmem>>, %arg8: memref<128xf32, #tpu.memory_space<vmem>>, %arg9: memref<16xf32, #tpu.memory_space<vmem>>) attributes {dimension_semantics = [#tpu.dimension_semantics<core_parallel>, #tpu.dimension_semantics<subcore_parallel>], iteration_bounds = array<i64: 2, 16>, scalar_prefetch = 0 : i64, scratch_operands = 4 : i64, tpu.core_type = #tpu.core_type<sc_vector_subcore>, window_params = [{transform_indices = #map}, {transform_indices = #map}, {transform_indices = #map}, {transform_indices = #map1}]} {
    %mul3A = arith.constant 2 : i32
    %mul3A_0 = arith.muli %arg1, %mul3A : i32
    %add3A = arith.addi %mul3A_0, %arg0 : i32
    %mul3A_1 = arith.constant 512 : i32
    %mul3A_2 = arith.muli %add3A, %mul3A_1 : i32
    "tpu.region"() ({
      %run_scoped3A = tpu.sem_alloc : memref<!tpu.dma_semaphore, #tpu.memory_space<semaphore_mem>>
      %dma_start3A = tpu.memref_slice %arg2[%mul3A_2] : memref<16384xi32, #tpu.memory_space<hbm>> -> memref<512xi32, #tpu.memory_space<hbm>>
      %dma_start3A_230 = tpu.memref_slice %arg2[%mul3A_2] : memref<16384xi32, #tpu.memory_space<hbm>> -> memref<512xi32, #tpu.memory_space<hbm>>
      tpu.enqueue_dma source(%dma_start3A_230 : memref<512xi32, #tpu.memory_space<hbm>>) target(%arg6 : memref<512xi32, #tpu.memory_space<vmem>>) target_semaphore(%run_scoped3A : memref<!tpu.dma_semaphore, #tpu.memory_space<semaphore_mem>>)
      %dma_wait3A = tpu.memref_slice %arg2[%mul3A_2] : memref<16384xi32, #tpu.memory_space<hbm>> -> memref<512xi32, #tpu.memory_space<hbm>>
      %dma_wait3A_231 = tpu.memref_slice %arg2[%mul3A_2] : memref<16384xi32, #tpu.memory_space<hbm>> -> memref<512xi32, #tpu.memory_space<hbm>>
      tpu.wait_dma2 semaphore(%run_scoped3A : memref<!tpu.dma_semaphore, #tpu.memory_space<semaphore_mem>>) src(%dma_wait3A_231 : memref<512xi32, #tpu.memory_space<hbm>>) dst(%arg6 : memref<512xi32, #tpu.memory_space<vmem>>)
      tpu.yield
    }) : () -> ()
    "tpu.region"() ({
      %run_scoped3A = tpu.sem_alloc : memref<!tpu.dma_semaphore, #tpu.memory_space<semaphore_mem>>
      %dma_start3A = tpu.memref_slice %arg3[%mul3A_2] : memref<16384xf32, #tpu.memory_space<hbm>> -> memref<512xf32, #tpu.memory_space<hbm>>
      %dma_start3A_230 = tpu.memref_slice %arg3[%mul3A_2] : memref<16384xf32, #tpu.memory_space<hbm>> -> memref<512xf32, #tpu.memory_space<hbm>>
      tpu.enqueue_dma source(%dma_start3A_230 : memref<512xf32, #tpu.memory_space<hbm>>) target(%arg7 : memref<512xf32, #tpu.memory_space<vmem>>) target_semaphore(%run_scoped3A : memref<!tpu.dma_semaphore, #tpu.memory_space<semaphore_mem>>)
      %dma_wait3A = tpu.memref_slice %arg3[%mul3A_2] : memref<16384xf32, #tpu.memory_space<hbm>> -> memref<512xf32, #tpu.memory_space<hbm>>
      %dma_wait3A_231 = tpu.memref_slice %arg3[%mul3A_2] : memref<16384xf32, #tpu.memory_space<hbm>> -> memref<512xf32, #tpu.memory_space<hbm>>
      tpu.wait_dma2 semaphore(%run_scoped3A : memref<!tpu.dma_semaphore, #tpu.memory_space<semaphore_mem>>) src(%dma_wait3A_231 : memref<512xf32, #tpu.memory_space<hbm>>) dst(%arg7 : memref<512xf32, #tpu.memory_space<vmem>>)
      tpu.yield
    }) : () -> ()
    "tpu.region"() ({
      %run_scoped3A = tpu.sem_alloc : memref<!tpu.dma_semaphore, #tpu.memory_space<semaphore_mem>>
      tpu.enqueue_dma source(%arg4 : memref<128xf32, #tpu.memory_space<hbm>>) target(%arg8 : memref<128xf32, #tpu.memory_space<vmem>>) target_semaphore(%run_scoped3A : memref<!tpu.dma_semaphore, #tpu.memory_space<semaphore_mem>>)
      tpu.wait_dma2 semaphore(%run_scoped3A : memref<!tpu.dma_semaphore, #tpu.memory_space<semaphore_mem>>) src(%arg4 : memref<128xf32, #tpu.memory_space<hbm>>) dst(%arg8 : memref<128xf32, #tpu.memory_space<vmem>>)
      tpu.yield
    }) : () -> ()
    %broadcast_in_dim3A = arith.constant 0.000000e+00 : f32
    %broadcast_in_dim3A_3 = vector.broadcast %broadcast_in_dim3A : f32 to vector<16xf32>
    %get3A = arith.constant 0 : index
    %get3A_4 = tpu.vector_load %arg6[%get3A] {strides = array<i32>} : memref<512xi32, #tpu.memory_space<vmem>>, vector<16xi32>,
    %gather3A = tpu.vector_load_idx %arg8[%get3A_4] : memref<128xf32, #tpu.memory_space<vmem>>[vector<16xi32>], vector<16xf32>,
    %get3A_5 = arith.constant 0 : index
    %get3A_6 = tpu.vector_load %arg7[%get3A_5] {strides = array<i32>} : memref<512xf32, #tpu.memory_space<vmem>>, vector<16xf32>,
    %mul3A_7 = arith.mulf %get3A_6, %gather3A : vector<16xf32>
    %add3A_8 = arith.addf %broadcast_in_dim3A_3, %mul3A_7 : vector<16xf32>
    %get3A_9 = arith.constant 16 : index
    %get3A_10 = tpu.vector_load %arg6[%get3A_9] {strides = array<i32>} : memref<512xi32, #tpu.memory_space<vmem>>, vector<16xi32>,
    %gather3A_11 = tpu.vector_load_idx %arg8[%get3A_10] : memref<128xf32, #tpu.memory_space<vmem>>[vector<16xi32>], vector<16xf32>,
    %get3A_12 = arith.constant 16 : index
    %get3A_13 = tpu.vector_load %arg7[%get3A_12] {strides = array<i32>} : memref<512xf32, #tpu.memory_space<vmem>>, vector<16xf32>,
    %mul3A_14 = arith.mulf %get3A_13, %gather3A_11 : vector<16xf32>
    %add3A_15 = arith.addf %add3A_8, %mul3A_14 : vector<16xf32>
    %get3A_16 = arith.constant 32 : index
    %get3A_17 = tpu.vector_load %arg6[%get3A_16] {strides = array<i32>} : memref<512xi32, #tpu.memory_space<vmem>>, vector<16xi32>,
    %gather3A_18 = tpu.vector_load_idx %arg8[%get3A_17] : memref<128xf32, #tpu.memory_space<vmem>>[vector<16xi32>], vector<16xf32>,
    %get3A_19 = arith.constant 32 : index
    %get3A_20 = tpu.vector_load %arg7[%get3A_19] {strides = array<i32>} : memref<512xf32, #tpu.memory_space<vmem>>, vector<16xf32>,
    %mul3A_21 = arith.mulf %get3A_20, %gather3A_18 : vector<16xf32>
    %add3A_22 = arith.addf %add3A_15, %mul3A_21 : vector<16xf32>
    %get3A_23 = arith.constant 48 : index
    %get3A_24 = tpu.vector_load %arg6[%get3A_23] {strides = array<i32>} : memref<512xi32, #tpu.memory_space<vmem>>, vector<16xi32>,
    %gather3A_25 = tpu.vector_load_idx %arg8[%get3A_24] : memref<128xf32, #tpu.memory_space<vmem>>[vector<16xi32>], vector<16xf32>,
    %get3A_26 = arith.constant 48 : index
    %get3A_27 = tpu.vector_load %arg7[%get3A_26] {strides = array<i32>} : memref<512xf32, #tpu.memory_space<vmem>>, vector<16xf32>,
    %mul3A_28 = arith.mulf %get3A_27, %gather3A_25 : vector<16xf32>
    %add3A_29 = arith.addf %add3A_22, %mul3A_28 : vector<16xf32>
    %get3A_30 = arith.constant 64 : index
    %get3A_31 = tpu.vector_load %arg6[%get3A_30] {strides = array<i32>} : memref<512xi32, #tpu.memory_space<vmem>>, vector<16xi32>,
    %gather3A_32 = tpu.vector_load_idx %arg8[%get3A_31] : memref<128xf32, #tpu.memory_space<vmem>>[vector<16xi32>], vector<16xf32>,
    %get3A_33 = arith.constant 64 : index
    %get3A_34 = tpu.vector_load %arg7[%get3A_33] {strides = array<i32>} : memref<512xf32, #tpu.memory_space<vmem>>, vector<16xf32>,
    %mul3A_35 = arith.mulf %get3A_34, %gather3A_32 : vector<16xf32>
    %add3A_36 = arith.addf %add3A_29, %mul3A_35 : vector<16xf32>
    %get3A_37 = arith.constant 80 : index
    %get3A_38 = tpu.vector_load %arg6[%get3A_37] {strides = array<i32>} : memref<512xi32, #tpu.memory_space<vmem>>, vector<16xi32>,
    %gather3A_39 = tpu.vector_load_idx %arg8[%get3A_38] : memref<128xf32, #tpu.memory_space<vmem>>[vector<16xi32>], vector<16xf32>,
    %get3A_40 = arith.constant 80 : index
    %get3A_41 = tpu.vector_load %arg7[%get3A_40] {strides = array<i32>} : memref<512xf32, #tpu.memory_space<vmem>>, vector<16xf32>,
    %mul3A_42 = arith.mulf %get3A_41, %gather3A_39 : vector<16xf32>
    %add3A_43 = arith.addf %add3A_36, %mul3A_42 : vector<16xf32>
    %get3A_44 = arith.constant 96 : index
    %get3A_45 = tpu.vector_load %arg6[%get3A_44] {strides = array<i32>} : memref<512xi32, #tpu.memory_space<vmem>>, vector<16xi32>,
    %gather3A_46 = tpu.vector_load_idx %arg8[%get3A_45] : memref<128xf32, #tpu.memory_space<vmem>>[vector<16xi32>], vector<16xf32>,
    %get3A_47 = arith.constant 96 : index
    %get3A_48 = tpu.vector_load %arg7[%get3A_47] {strides = array<i32>} : memref<512xf32, #tpu.memory_space<vmem>>, vector<16xf32>,
    %mul3A_49 = arith.mulf %get3A_48, %gather3A_46 : vector<16xf32>
    %add3A_50 = arith.addf %add3A_43, %mul3A_49 : vector<16xf32>
    %get3A_51 = arith.constant 112 : index
    %get3A_52 = tpu.vector_load %arg6[%get3A_51] {strides = array<i32>} : memref<512xi32, #tpu.memory_space<vmem>>, vector<16xi32>,
    %gather3A_53 = tpu.vector_load_idx %arg8[%get3A_52] : memref<128xf32, #tpu.memory_space<vmem>>[vector<16xi32>], vector<16xf32>,
    %get3A_54 = arith.constant 112 : index
    %get3A_55 = tpu.vector_load %arg7[%get3A_54] {strides = array<i32>} : memref<512xf32, #tpu.memory_space<vmem>>, vector<16xf32>,
    %mul3A_56 = arith.mulf %get3A_55, %gather3A_53 : vector<16xf32>
    %add3A_57 = arith.addf %add3A_50, %mul3A_56 : vector<16xf32>
    %get3A_58 = arith.constant 128 : index
    %get3A_59 = tpu.vector_load %arg6[%get3A_58] {strides = array<i32>} : memref<512xi32, #tpu.memory_space<vmem>>, vector<16xi32>,
    %gather3A_60 = tpu.vector_load_idx %arg8[%get3A_59] : memref<128xf32, #tpu.memory_space<vmem>>[vector<16xi32>], vector<16xf32>,
    %get3A_61 = arith.constant 128 : index
    %get3A_62 = tpu.vector_load %arg7[%get3A_61] {strides = array<i32>} : memref<512xf32, #tpu.memory_space<vmem>>, vector<16xf32>,
    %mul3A_63 = arith.mulf %get3A_62, %gather3A_60 : vector<16xf32>
    %add3A_64 = arith.addf %add3A_57, %mul3A_63 : vector<16xf32>
    %get3A_65 = arith.constant 144 : index
    %get3A_66 = tpu.vector_load %arg6[%get3A_65] {strides = array<i32>} : memref<512xi32, #tpu.memory_space<vmem>>, vector<16xi32>,
    %gather3A_67 = tpu.vector_load_idx %arg8[%get3A_66] : memref<128xf32, #tpu.memory_space<vmem>>[vector<16xi32>], vector<16xf32>,
    %get3A_68 = arith.constant 144 : index
    %get3A_69 = tpu.vector_load %arg7[%get3A_68] {strides = array<i32>} : memref<512xf32, #tpu.memory_space<vmem>>, vector<16xf32>,
    %mul3A_70 = arith.mulf %get3A_69, %gather3A_67 : vector<16xf32>
    %add3A_71 = arith.addf %add3A_64, %mul3A_70 : vector<16xf32>
    %get3A_72 = arith.constant 160 : index
    %get3A_73 = tpu.vector_load %arg6[%get3A_72] {strides = array<i32>} : memref<512xi32, #tpu.memory_space<vmem>>, vector<16xi32>,
    %gather3A_74 = tpu.vector_load_idx %arg8[%get3A_73] : memref<128xf32, #tpu.memory_space<vmem>>[vector<16xi32>], vector<16xf32>,
    %get3A_75 = arith.constant 160 : index
    %get3A_76 = tpu.vector_load %arg7[%get3A_75] {strides = array<i32>} : memref<512xf32, #tpu.memory_space<vmem>>, vector<16xf32>,
    %mul3A_77 = arith.mulf %get3A_76, %gather3A_74 : vector<16xf32>
    %add3A_78 = arith.addf %add3A_71, %mul3A_77 : vector<16xf32>
    %get3A_79 = arith.constant 176 : index
    %get3A_80 = tpu.vector_load %arg6[%get3A_79] {strides = array<i32>} : memref<512xi32, #tpu.memory_space<vmem>>, vector<16xi32>,
    %gather3A_81 = tpu.vector_load_idx %arg8[%get3A_80] : memref<128xf32, #tpu.memory_space<vmem>>[vector<16xi32>], vector<16xf32>,
    %get3A_82 = arith.constant 176 : index
    %get3A_83 = tpu.vector_load %arg7[%get3A_82] {strides = array<i32>} : memref<512xf32, #tpu.memory_space<vmem>>, vector<16xf32>,
    %mul3A_84 = arith.mulf %get3A_83, %gather3A_81 : vector<16xf32>
    %add3A_85 = arith.addf %add3A_78, %mul3A_84 : vector<16xf32>
    %get3A_86 = arith.constant 192 : index
    %get3A_87 = tpu.vector_load %arg6[%get3A_86] {strides = array<i32>} : memref<512xi32, #tpu.memory_space<vmem>>, vector<16xi32>,
    %gather3A_88 = tpu.vector_load_idx %arg8[%get3A_87] : memref<128xf32, #tpu.memory_space<vmem>>[vector<16xi32>], vector<16xf32>,
    %get3A_89 = arith.constant 192 : index
    %get3A_90 = tpu.vector_load %arg7[%get3A_89] {strides = array<i32>} : memref<512xf32, #tpu.memory_space<vmem>>, vector<16xf32>,
    %mul3A_91 = arith.mulf %get3A_90, %gather3A_88 : vector<16xf32>
    %add3A_92 = arith.addf %add3A_85, %mul3A_91 : vector<16xf32>
    %get3A_93 = arith.constant 208 : index
    %get3A_94 = tpu.vector_load %arg6[%get3A_93] {strides = array<i32>} : memref<512xi32, #tpu.memory_space<vmem>>, vector<16xi32>,
    %gather3A_95 = tpu.vector_load_idx %arg8[%get3A_94] : memref<128xf32, #tpu.memory_space<vmem>>[vector<16xi32>], vector<16xf32>,
    %get3A_96 = arith.constant 208 : index
    %get3A_97 = tpu.vector_load %arg7[%get3A_96] {strides = array<i32>} : memref<512xf32, #tpu.memory_space<vmem>>, vector<16xf32>,
    %mul3A_98 = arith.mulf %get3A_97, %gather3A_95 : vector<16xf32>
    %add3A_99 = arith.addf %add3A_92, %mul3A_98 : vector<16xf32>
    %get3A_100 = arith.constant 224 : index
    %get3A_101 = tpu.vector_load %arg6[%get3A_100] {strides = array<i32>} : memref<512xi32, #tpu.memory_space<vmem>>, vector<16xi32>,
    %gather3A_102 = tpu.vector_load_idx %arg8[%get3A_101] : memref<128xf32, #tpu.memory_space<vmem>>[vector<16xi32>], vector<16xf32>,
    %get3A_103 = arith.constant 224 : index
    %get3A_104 = tpu.vector_load %arg7[%get3A_103] {strides = array<i32>} : memref<512xf32, #tpu.memory_space<vmem>>, vector<16xf32>,
    %mul3A_105 = arith.mulf %get3A_104, %gather3A_102 : vector<16xf32>
    %add3A_106 = arith.addf %add3A_99, %mul3A_105 : vector<16xf32>
    %get3A_107 = arith.constant 240 : index
    %get3A_108 = tpu.vector_load %arg6[%get3A_107] {strides = array<i32>} : memref<512xi32, #tpu.memory_space<vmem>>, vector<16xi32>,
    %gather3A_109 = tpu.vector_load_idx %arg8[%get3A_108] : memref<128xf32, #tpu.memory_space<vmem>>[vector<16xi32>], vector<16xf32>,
    %get3A_110 = arith.constant 240 : index
    %get3A_111 = tpu.vector_load %arg7[%get3A_110] {strides = array<i32>} : memref<512xf32, #tpu.memory_space<vmem>>, vector<16xf32>,
    %mul3A_112 = arith.mulf %get3A_111, %gather3A_109 : vector<16xf32>
    %add3A_113 = arith.addf %add3A_106, %mul3A_112 : vector<16xf32>
    %get3A_114 = arith.constant 256 : index
    %get3A_115 = tpu.vector_load %arg6[%get3A_114] {strides = array<i32>} : memref<512xi32, #tpu.memory_space<vmem>>, vector<16xi32>,
    %gather3A_116 = tpu.vector_load_idx %arg8[%get3A_115] : memref<128xf32, #tpu.memory_space<vmem>>[vector<16xi32>], vector<16xf32>,
    %get3A_117 = arith.constant 256 : index
    %get3A_118 = tpu.vector_load %arg7[%get3A_117] {strides = array<i32>} : memref<512xf32, #tpu.memory_space<vmem>>, vector<16xf32>,
    %mul3A_119 = arith.mulf %get3A_118, %gather3A_116 : vector<16xf32>
    %add3A_120 = arith.addf %add3A_113, %mul3A_119 : vector<16xf32>
    %get3A_121 = arith.constant 272 : index
    %get3A_122 = tpu.vector_load %arg6[%get3A_121] {strides = array<i32>} : memref<512xi32, #tpu.memory_space<vmem>>, vector<16xi32>,
    %gather3A_123 = tpu.vector_load_idx %arg8[%get3A_122] : memref<128xf32, #tpu.memory_space<vmem>>[vector<16xi32>], vector<16xf32>,
    %get3A_124 = arith.constant 272 : index
    %get3A_125 = tpu.vector_load %arg7[%get3A_124] {strides = array<i32>} : memref<512xf32, #tpu.memory_space<vmem>>, vector<16xf32>,
    %mul3A_126 = arith.mulf %get3A_125, %gather3A_123 : vector<16xf32>
    %add3A_127 = arith.addf %add3A_120, %mul3A_126 : vector<16xf32>
    %get3A_128 = arith.constant 288 : index
    %get3A_129 = tpu.vector_load %arg6[%get3A_128] {strides = array<i32>} : memref<512xi32, #tpu.memory_space<vmem>>, vector<16xi32>,
    %gather3A_130 = tpu.vector_load_idx %arg8[%get3A_129] : memref<128xf32, #tpu.memory_space<vmem>>[vector<16xi32>], vector<16xf32>,
    %get3A_131 = arith.constant 288 : index
    %get3A_132 = tpu.vector_load %arg7[%get3A_131] {strides = array<i32>} : memref<512xf32, #tpu.memory_space<vmem>>, vector<16xf32>,
    %mul3A_133 = arith.mulf %get3A_132, %gather3A_130 : vector<16xf32>
    %add3A_134 = arith.addf %add3A_127, %mul3A_133 : vector<16xf32>
    %get3A_135 = arith.constant 304 : index
    %get3A_136 = tpu.vector_load %arg6[%get3A_135] {strides = array<i32>} : memref<512xi32, #tpu.memory_space<vmem>>, vector<16xi32>,
    %gather3A_137 = tpu.vector_load_idx %arg8[%get3A_136] : memref<128xf32, #tpu.memory_space<vmem>>[vector<16xi32>], vector<16xf32>,
    %get3A_138 = arith.constant 304 : index
    %get3A_139 = tpu.vector_load %arg7[%get3A_138] {strides = array<i32>} : memref<512xf32, #tpu.memory_space<vmem>>, vector<16xf32>,
    %mul3A_140 = arith.mulf %get3A_139, %gather3A_137 : vector<16xf32>
    %add3A_141 = arith.addf %add3A_134, %mul3A_140 : vector<16xf32>
    %get3A_142 = arith.constant 320 : index
    %get3A_143 = tpu.vector_load %arg6[%get3A_142] {strides = array<i32>} : memref<512xi32, #tpu.memory_space<vmem>>, vector<16xi32>,
    %gather3A_144 = tpu.vector_load_idx %arg8[%get3A_143] : memref<128xf32, #tpu.memory_space<vmem>>[vector<16xi32>], vector<16xf32>,
    %get3A_145 = arith.constant 320 : index
    %get3A_146 = tpu.vector_load %arg7[%get3A_145] {strides = array<i32>} : memref<512xf32, #tpu.memory_space<vmem>>, vector<16xf32>,
    %mul3A_147 = arith.mulf %get3A_146, %gather3A_144 : vector<16xf32>
    %add3A_148 = arith.addf %add3A_141, %mul3A_147 : vector<16xf32>
    %get3A_149 = arith.constant 336 : index
    %get3A_150 = tpu.vector_load %arg6[%get3A_149] {strides = array<i32>} : memref<512xi32, #tpu.memory_space<vmem>>, vector<16xi32>,
    %gather3A_151 = tpu.vector_load_idx %arg8[%get3A_150] : memref<128xf32, #tpu.memory_space<vmem>>[vector<16xi32>], vector<16xf32>,
    %get3A_152 = arith.constant 336 : index
    %get3A_153 = tpu.vector_load %arg7[%get3A_152] {strides = array<i32>} : memref<512xf32, #tpu.memory_space<vmem>>, vector<16xf32>,
    %mul3A_154 = arith.mulf %get3A_153, %gather3A_151 : vector<16xf32>
    %add3A_155 = arith.addf %add3A_148, %mul3A_154 : vector<16xf32>
    %get3A_156 = arith.constant 352 : index
    %get3A_157 = tpu.vector_load %arg6[%get3A_156] {strides = array<i32>} : memref<512xi32, #tpu.memory_space<vmem>>, vector<16xi32>,
    %gather3A_158 = tpu.vector_load_idx %arg8[%get3A_157] : memref<128xf32, #tpu.memory_space<vmem>>[vector<16xi32>], vector<16xf32>,
    %get3A_159 = arith.constant 352 : index
    %get3A_160 = tpu.vector_load %arg7[%get3A_159] {strides = array<i32>} : memref<512xf32, #tpu.memory_space<vmem>>, vector<16xf32>,
    %mul3A_161 = arith.mulf %get3A_160, %gather3A_158 : vector<16xf32>
    %add3A_162 = arith.addf %add3A_155, %mul3A_161 : vector<16xf32>
    %get3A_163 = arith.constant 368 : index
    %get3A_164 = tpu.vector_load %arg6[%get3A_163] {strides = array<i32>} : memref<512xi32, #tpu.memory_space<vmem>>, vector<16xi32>,
    %gather3A_165 = tpu.vector_load_idx %arg8[%get3A_164] : memref<128xf32, #tpu.memory_space<vmem>>[vector<16xi32>], vector<16xf32>,
    %get3A_166 = arith.constant 368 : index
    %get3A_167 = tpu.vector_load %arg7[%get3A_166] {strides = array<i32>} : memref<512xf32, #tpu.memory_space<vmem>>, vector<16xf32>,
    %mul3A_168 = arith.mulf %get3A_167, %gather3A_165 : vector<16xf32>
    %add3A_169 = arith.addf %add3A_162, %mul3A_168 : vector<16xf32>
    %get3A_170 = arith.constant 384 : index
    %get3A_171 = tpu.vector_load %arg6[%get3A_170] {strides = array<i32>} : memref<512xi32, #tpu.memory_space<vmem>>, vector<16xi32>,
    %gather3A_172 = tpu.vector_load_idx %arg8[%get3A_171] : memref<128xf32, #tpu.memory_space<vmem>>[vector<16xi32>], vector<16xf32>,
    %get3A_173 = arith.constant 384 : index
    %get3A_174 = tpu.vector_load %arg7[%get3A_173] {strides = array<i32>} : memref<512xf32, #tpu.memory_space<vmem>>, vector<16xf32>,
    %mul3A_175 = arith.mulf %get3A_174, %gather3A_172 : vector<16xf32>
    %add3A_176 = arith.addf %add3A_169, %mul3A_175 : vector<16xf32>
    %get3A_177 = arith.constant 400 : index
    %get3A_178 = tpu.vector_load %arg6[%get3A_177] {strides = array<i32>} : memref<512xi32, #tpu.memory_space<vmem>>, vector<16xi32>,
    %gather3A_179 = tpu.vector_load_idx %arg8[%get3A_178] : memref<128xf32, #tpu.memory_space<vmem>>[vector<16xi32>], vector<16xf32>,
    %get3A_180 = arith.constant 400 : index
    %get3A_181 = tpu.vector_load %arg7[%get3A_180] {strides = array<i32>} : memref<512xf32, #tpu.memory_space<vmem>>, vector<16xf32>,
    %mul3A_182 = arith.mulf %get3A_181, %gather3A_179 : vector<16xf32>
    %add3A_183 = arith.addf %add3A_176, %mul3A_182 : vector<16xf32>
    %get3A_184 = arith.constant 416 : index
    %get3A_185 = tpu.vector_load %arg6[%get3A_184] {strides = array<i32>} : memref<512xi32, #tpu.memory_space<vmem>>, vector<16xi32>,
    %gather3A_186 = tpu.vector_load_idx %arg8[%get3A_185] : memref<128xf32, #tpu.memory_space<vmem>>[vector<16xi32>], vector<16xf32>,
    %get3A_187 = arith.constant 416 : index
    %get3A_188 = tpu.vector_load %arg7[%get3A_187] {strides = array<i32>} : memref<512xf32, #tpu.memory_space<vmem>>, vector<16xf32>,
    %mul3A_189 = arith.mulf %get3A_188, %gather3A_186 : vector<16xf32>
    %add3A_190 = arith.addf %add3A_183, %mul3A_189 : vector<16xf32>
    %get3A_191 = arith.constant 432 : index
    %get3A_192 = tpu.vector_load %arg6[%get3A_191] {strides = array<i32>} : memref<512xi32, #tpu.memory_space<vmem>>, vector<16xi32>,
    %gather3A_193 = tpu.vector_load_idx %arg8[%get3A_192] : memref<128xf32, #tpu.memory_space<vmem>>[vector<16xi32>], vector<16xf32>,
    %get3A_194 = arith.constant 432 : index
    %get3A_195 = tpu.vector_load %arg7[%get3A_194] {strides = array<i32>} : memref<512xf32, #tpu.memory_space<vmem>>, vector<16xf32>,
    %mul3A_196 = arith.mulf %get3A_195, %gather3A_193 : vector<16xf32>
    %add3A_197 = arith.addf %add3A_190, %mul3A_196 : vector<16xf32>
    %get3A_198 = arith.constant 448 : index
    %get3A_199 = tpu.vector_load %arg6[%get3A_198] {strides = array<i32>} : memref<512xi32, #tpu.memory_space<vmem>>, vector<16xi32>,
    %gather3A_200 = tpu.vector_load_idx %arg8[%get3A_199] : memref<128xf32, #tpu.memory_space<vmem>>[vector<16xi32>], vector<16xf32>,
    %get3A_201 = arith.constant 448 : index
    %get3A_202 = tpu.vector_load %arg7[%get3A_201] {strides = array<i32>} : memref<512xf32, #tpu.memory_space<vmem>>, vector<16xf32>,
    %mul3A_203 = arith.mulf %get3A_202, %gather3A_200 : vector<16xf32>
    %add3A_204 = arith.addf %add3A_197, %mul3A_203 : vector<16xf32>
    %get3A_205 = arith.constant 464 : index
    %get3A_206 = tpu.vector_load %arg6[%get3A_205] {strides = array<i32>} : memref<512xi32, #tpu.memory_space<vmem>>, vector<16xi32>,
    %gather3A_207 = tpu.vector_load_idx %arg8[%get3A_206] : memref<128xf32, #tpu.memory_space<vmem>>[vector<16xi32>], vector<16xf32>,
    %get3A_208 = arith.constant 464 : index
    %get3A_209 = tpu.vector_load %arg7[%get3A_208] {strides = array<i32>} : memref<512xf32, #tpu.memory_space<vmem>>, vector<16xf32>,
    %mul3A_210 = arith.mulf %get3A_209, %gather3A_207 : vector<16xf32>
    %add3A_211 = arith.addf %add3A_204, %mul3A_210 : vector<16xf32>
    %get3A_212 = arith.constant 480 : index
    %get3A_213 = tpu.vector_load %arg6[%get3A_212] {strides = array<i32>} : memref<512xi32, #tpu.memory_space<vmem>>, vector<16xi32>,
    %gather3A_214 = tpu.vector_load_idx %arg8[%get3A_213] : memref<128xf32, #tpu.memory_space<vmem>>[vector<16xi32>], vector<16xf32>,
    %get3A_215 = arith.constant 480 : index
    %get3A_216 = tpu.vector_load %arg7[%get3A_215] {strides = array<i32>} : memref<512xf32, #tpu.memory_space<vmem>>, vector<16xf32>,
    %mul3A_217 = arith.mulf %get3A_216, %gather3A_214 : vector<16xf32>
    %add3A_218 = arith.addf %add3A_211, %mul3A_217 : vector<16xf32>
    %get3A_219 = arith.constant 496 : index
    %get3A_220 = tpu.vector_load %arg6[%get3A_219] {strides = array<i32>} : memref<512xi32, #tpu.memory_space<vmem>>, vector<16xi32>,
    %gather3A_221 = tpu.vector_load_idx %arg8[%get3A_220] : memref<128xf32, #tpu.memory_space<vmem>>[vector<16xi32>], vector<16xf32>,
    %get3A_222 = arith.constant 496 : index
    %get3A_223 = tpu.vector_load %arg7[%get3A_222] {strides = array<i32>} : memref<512xf32, #tpu.memory_space<vmem>>, vector<16xf32>,
    %mul3A_224 = arith.mulf %get3A_223, %gather3A_221 : vector<16xf32>
    %add3A_225 = arith.addf %add3A_218, %mul3A_224 : vector<16xf32>
    %mul3A_226 = arith.constant 6.250000e-05 : f32
    %mul3A_227 = vector.broadcast %mul3A_226 : f32 to vector<16xf32>
    %mul3A_228 = arith.mulf %add3A_225, %mul3A_227 : vector<16xf32>
    %swap3A = arith.constant 0 : index
    %swap3A_229 = tpu.vector_load %arg9[%swap3A] {strides = array<i32>} : memref<16xf32, #tpu.memory_space<vmem>>, vector<16xf32>,
    tpu.vector_store %arg9[%swap3A], %mul3A_228 {strides = array<i32>} : memref<16xf32, #tpu.memory_space<vmem>>, vector<16xf32>,
    "tpu.region"() ({
      %run_scoped3A = tpu.sem_alloc : memref<!tpu.dma_semaphore, #tpu.memory_space<semaphore_mem>>
      %dma_start3A = arith.constant 0 : i32
      %dma_start3A_230 = tpu.memref_slice %arg5[%add3A, %dma_start3A] : memref<32x16xf32, #tpu.memory_space<hbm>> -> memref<1x16xf32, #tpu.memory_space<hbm>>
      %dma_start3A_231 = tpu.memref_squeeze %dma_start3A_230 : memref<1x16xf32, #tpu.memory_space<hbm>> -> memref<16xf32, #tpu.memory_space<hbm>>
      %dma_start3A_232 = arith.constant 0 : i32
      %dma_start3A_233 = tpu.memref_slice %arg5[%add3A, %dma_start3A_232] : memref<32x16xf32, #tpu.memory_space<hbm>> -> memref<1x16xf32, #tpu.memory_space<hbm>>
      %dma_start3A_234 = tpu.memref_squeeze %dma_start3A_233 : memref<1x16xf32, #tpu.memory_space<hbm>> -> memref<16xf32, #tpu.memory_space<hbm>>
      tpu.enqueue_dma source(%arg9 : memref<16xf32, #tpu.memory_space<vmem>>) target(%dma_start3A_234 : memref<16xf32, #tpu.memory_space<hbm>>) target_semaphore(%run_scoped3A : memref<!tpu.dma_semaphore, #tpu.memory_space<semaphore_mem>>)
      %dma_wait3A = arith.constant 0 : i32
      %dma_wait3A_235 = tpu.memref_slice %arg5[%add3A, %dma_wait3A] : memref<32x16xf32, #tpu.memory_space<hbm>> -> memref<1x16xf32, #tpu.memory_space<hbm>>
      %dma_wait3A_236 = tpu.memref_squeeze %dma_wait3A_235 : memref<1x16xf32, #tpu.memory_space<hbm>> -> memref<16xf32, #tpu.memory_space<hbm>>
      %dma_wait3A_237 = arith.constant 0 : i32
      %dma_wait3A_238 = tpu.memref_slice %arg5[%add3A, %dma_wait3A_237] : memref<32x16xf32, #tpu.memory_space<hbm>> -> memref<1x16xf32, #tpu.memory_space<hbm>>
      %dma_wait3A_239 = tpu.memref_squeeze %dma_wait3A_238 : memref<1x16xf32, #tpu.memory_space<hbm>> -> memref<16xf32, #tpu.memory_space<hbm>>
      tpu.wait_dma2 semaphore(%run_scoped3A : memref<!tpu.dma_semaphore, #tpu.memory_space<semaphore_mem>>) src(%arg9 : memref<16xf32, #tpu.memory_space<vmem>>) dst(%dma_wait3A_239 : memref<16xf32, #tpu.memory_space<hbm>>)
      tpu.yield
    }) : () -> ()
    return
  }
}

module attributes {stable_mosaic.version = 14 : i64} {
  func.func @_stats_body(%arg0: i32, %arg1: memref<3200x81xf32, #tpu.memory_space<vmem>>, %arg2: memref<3200x81xf32, #tpu.memory_space<vmem>>, %arg3: memref<16384xf32, #tpu.memory_space<vmem>>, %arg4: memref<16384xi32, #tpu.memory_space<vmem>>, %arg5: memref<1x128xf32, #tpu.memory_space<vmem>>, %arg6: memref<1x128xf32, #tpu.memory_space<vmem>>, %arg7: memref<1x16xf32, #tpu.memory_space<vmem>>, %arg8: memref<128xf32, #tpu.memory_space<vmem>>, %arg9: memref<1x128xf32, #tpu.memory_space<vmem>>) attributes {dimension_semantics = [#tpu.dimension_semantics<arbitrary>], iteration_bounds = array<i64: 5>, scalar_prefetch = 0 : i64, scratch_operands = 1 : i64, tpu.core_type = #tpu.core_type<tc>, window_params = [{transform_indices = @transform_0, window_bounds = array<i64: 3200, 81>}, {transform_indices = @transform_1, window_bounds = array<i64: 3200, 81>}, {pipeline_mode = #tpu.pipeline_mode<synchronous>, transform_indices = @transform_2, window_bounds = array<i64: 16384>}, {pipeline_mode = #tpu.pipeline_mode<synchronous>, transform_indices = @transform_3, window_bounds = array<i64: 16384>}, {pipeline_mode = #tpu.pipeline_mode<synchronous>, transform_indices = @transform_4, window_bounds = array<i64: 1, 128>}, {pipeline_mode = #tpu.pipeline_mode<synchronous>, transform_indices = @transform_5, window_bounds = array<i64: 1, 128>}, {pipeline_mode = #tpu.pipeline_mode<synchronous>, transform_indices = @transform_6, window_bounds = array<i64: 1, 16>}, {pipeline_mode = #tpu.pipeline_mode<synchronous>, transform_indices = @transform_7, window_bounds = array<i64: 128>}]} {
    %get3A = arith.constant 0 : index
    %get3A_0 = arith.constant 0 : index
    %get3A_1 = vector.load %arg1[%get3A, %get3A_0] : memref<3200x81xf32, #tpu.memory_space<vmem>>, vector<3200x81xf32>
    %get3A_2 = arith.constant 0 : index
    %get3A_3 = arith.constant 0 : index
    %get3A_4 = vector.load %arg2[%get3A_2, %get3A_3] : memref<3200x81xf32, #tpu.memory_space<vmem>>, vector<3200x81xf32>
    %reduce_sum3A = arith.constant dense<0.000000e+00> : vector<3200xf32>
    %reduce_sum3A_5 = vector.multi_reduction <add>, %get3A_4, %reduce_sum3A [1] : vector<3200x81xf32> to vector<3200xf32>
    %mul3A = arith.mulf %get3A_1, %get3A_4 : vector<3200x81xf32>
    %reduce_sum3A_6 = arith.constant dense<0.000000e+00> : vector<3200xf32>
    %reduce_sum3A_7 = vector.multi_reduction <add>, %mul3A, %reduce_sum3A_6 [1] : vector<3200x81xf32> to vector<3200xf32>
    %iota3A = tpu.iota {dimensions = array<i32: 1>} : vector<3200x81xi32>
    %convert_element_type3A = arith.sitofp %iota3A : vector<3200x81xi32> to vector<3200x81xf32>
    %mul3A_8 = arith.mulf %get3A_1, %convert_element_type3A : vector<3200x81xf32>
    %reduce_sum3A_9 = arith.constant dense<0.000000e+00> : vector<3200xf32>
    %reduce_sum3A_10 = vector.multi_reduction <add>, %mul3A_8, %reduce_sum3A_9 [1] : vector<3200x81xf32> to vector<3200xf32>
    %convert_element_type3A_11 = arith.fptosi %reduce_sum3A_10 : vector<3200xf32> to vector<3200xi32>
    %mul3A_12 = arith.constant 3200 : i32
    %mul3A_13 = arith.muli %arg0, %mul3A_12 : i32
    %swap3A = arith.index_cast %mul3A_13 : i32 to index
    %swap3A_14 = vector.load %arg4[%swap3A] : memref<16384xi32, #tpu.memory_space<vmem>>, vector<3200xi32>
    tpu.vector_store %arg4[%swap3A], %convert_element_type3A_11 {strides = array<i32>} : memref<16384xi32, #tpu.memory_space<vmem>>, vector<3200xi32>,
    %div3A = arith.divf %reduce_sum3A_7, %reduce_sum3A_5 : vector<3200xf32>
    %jit3A = arith.constant 1.000000e-07 : f32
    %jit3A_15 = arith.constant 0.99999988 : f32
    %max3A = vector.broadcast %jit3A : f32 to vector<3200xf32>
    %max3A_16 = arith.maximumf %max3A, %div3A : vector<3200xf32>
    %min3A = vector.broadcast %jit3A_15 : f32 to vector<3200xf32>
    %min3A_17 = arith.minimumf %min3A, %max3A_16 : vector<3200xf32>
    %log3A = math.log %min3A_17 : vector<3200xf32>
    %neg3A = arith.constant 0.000000e+00 : f32
    %neg3A_18 = vector.broadcast %neg3A : f32 to vector<3200xf32>
    %neg3A_19 = arith.subf %neg3A_18, %log3A : vector<3200xf32>
    %mul3A_20 = arith.constant 3200 : i32
    %mul3A_21 = arith.muli %arg0, %mul3A_20 : i32
    %swap3A_22 = arith.index_cast %mul3A_21 : i32 to index
    %swap3A_23 = vector.load %arg3[%swap3A_22] : memref<16384xf32, #tpu.memory_space<vmem>>, vector<3200xf32>
    tpu.vector_store %arg3[%swap3A_22], %neg3A_19 {strides = array<i32>} : memref<16384xf32, #tpu.memory_space<vmem>>, vector<3200xf32>,
    %eq3A = arith.constant 0 : i32
    %eq3A_24 = arith.cmpi eq, %arg0, %eq3A : i32
    %convert_element_type3A_25 = arith.extui %eq3A_24 : i1 to i32
    %cond3A = arith.constant 0 : i32
    %cond3A_26 = arith.cmpi ne, %convert_element_type3A_25, %cond3A : i32
    scf.if %cond3A_26 {
      %broadcast_in_dim3A_40 = arith.constant 0.000000e+00 : f32
      %broadcast_in_dim3A_41 = vector.broadcast %broadcast_in_dim3A_40 : f32 to vector<1x128xf32>
      %swap3A_42 = arith.constant 0 : index
      %swap3A_43 = arith.constant 0 : index
      %swap3A_44 = vector.load %arg9[%swap3A_42, %swap3A_43] : memref<1x128xf32, #tpu.memory_space<vmem>>, vector<1x128xf32>
      tpu.vector_store %arg9[%swap3A_42, %swap3A_43], %broadcast_in_dim3A_41 {strides = array<i32>} : memref<1x128xf32, #tpu.memory_space<vmem>>, vector<1x128xf32>,
    } else {
    }
    %get3A_27 = arith.constant 0 : index
    %get3A_28 = arith.constant 0 : index
    %get3A_29 = vector.load %arg9[%get3A_27, %get3A_28] : memref<1x128xf32, #tpu.memory_space<vmem>>, vector<1x81xf32>
    %reduce_sum3A_30 = arith.constant dense<0.000000e+00> : vector<81xf32>
    %reduce_sum3A_31 = vector.multi_reduction <add>, %get3A_1, %reduce_sum3A_30 [0] : vector<3200x81xf32> to vector<81xf32>
    %broadcast_in_dim3A = vector.shape_cast %reduce_sum3A_31 : vector<81xf32> to vector<1x81xf32>
    %add3A = arith.addf %get3A_29, %broadcast_in_dim3A : vector<1x81xf32>
    %swap3A_32 = arith.constant 0 : index
    %swap3A_33 = arith.constant 0 : index
    %swap3A_34 = vector.load %arg9[%swap3A_32, %swap3A_33] : memref<1x128xf32, #tpu.memory_space<vmem>>, vector<1x81xf32>
    tpu.vector_store %arg9[%swap3A_32, %swap3A_33], %add3A {strides = array<i32>} : memref<1x128xf32, #tpu.memory_space<vmem>>, vector<1x81xf32>,
    %eq3A_35 = arith.constant 4 : i32
    %eq3A_36 = arith.cmpi eq, %arg0, %eq3A_35 : i32
    %convert_element_type3A_37 = arith.extui %eq3A_36 : i1 to i32
    %cond3A_38 = arith.constant 0 : i32
    %cond3A_39 = arith.cmpi ne, %convert_element_type3A_37, %cond3A_38 : i32
    scf.if %cond3A_39 {
      %broadcast_in_dim3A_40 = arith.constant 0 : i32
      %broadcast_in_dim3A_41 = vector.broadcast %broadcast_in_dim3A_40 : i32 to vector<384xi32>
      %swap3A_42 = arith.constant 16000 : index
      %swap3A_43 = vector.load %arg4[%swap3A_42] : memref<16384xi32, #tpu.memory_space<vmem>>, vector<384xi32>
      tpu.vector_store %arg4[%swap3A_42], %broadcast_in_dim3A_41 {strides = array<i32>} : memref<16384xi32, #tpu.memory_space<vmem>>, vector<384xi32>,
      %broadcast_in_dim3A_44 = arith.constant 0.000000e+00 : f32
      %broadcast_in_dim3A_45 = vector.broadcast %broadcast_in_dim3A_44 : f32 to vector<384xf32>
      %swap3A_46 = arith.constant 16000 : index
      %swap3A_47 = vector.load %arg3[%swap3A_46] : memref<16384xf32, #tpu.memory_space<vmem>>, vector<384xf32>
      tpu.vector_store %arg3[%swap3A_46], %broadcast_in_dim3A_45 {strides = array<i32>} : memref<16384xf32, #tpu.memory_space<vmem>>, vector<384xf32>,
      %get3A_48 = arith.constant 0 : index
      %get3A_49 = arith.constant 0 : index
      %get3A_50 = vector.load %arg9[%get3A_48, %get3A_49] : memref<1x128xf32, #tpu.memory_space<vmem>>, vector<1x128xf32>
      %reduce_sum3A_51 = vector.shape_cast %get3A_50 : vector<1x128xf32> to vector<1x1x128xf32>
      %reduce_sum3A_52 = arith.constant dense<0.000000e+00> : vector<1xf32>
      %reduce_sum3A_53 = vector.multi_reduction <add>, %reduce_sum3A_51, %reduce_sum3A_52 [1, 2] : vector<1x1x128xf32> to vector<1xf32>
      %reduce_sum3A_54 = vector.shape_cast %reduce_sum3A_53 : vector<1xf32> to vector<1x1x1xf32>
      %reduce_sum3A_55 = vector.extract %reduce_sum3A_54[0, 0, 0] : f32 from vector<1x1x1xf32>
      %get3A_56 = arith.constant 0 : index
      %get3A_57 = arith.constant 0 : index
      %get3A_58 = vector.load %arg9[%get3A_56, %get3A_57] : memref<1x128xf32, #tpu.memory_space<vmem>>, vector<1x1xf32>
      %get3A_59 = vector.extract %get3A_58[0, 0] : f32 from vector<1x1xf32>
      %sub3A = arith.subf %reduce_sum3A_55, %get3A_59 : f32
      %max3A_60 = arith.constant 1.000000e-07 : f32
      %max3A_61 = vector.broadcast %max3A_60 : f32 to vector<1x128xf32>
      %max3A_62 = arith.maximumf %get3A_50, %max3A_61 : vector<1x128xf32>
      %div3A_63 = vector.broadcast %reduce_sum3A_55 : f32 to vector<1x128xf32>
      %div3A_64 = arith.divf %div3A_63, %max3A_62 : vector<1x128xf32>
      %neg3A_65 = arith.constant 0.000000e+00 : f32
      %neg3A_66 = vector.broadcast %neg3A_65 : f32 to vector<1x128xf32>
      %neg3A_67 = arith.subf %neg3A_66, %div3A_64 : vector<1x128xf32>
      %exp3A = math.exp %neg3A_67 : vector<1x128xf32>
      %add3A_68 = arith.constant 1.000000e+00 : f32
      %add3A_69 = vector.broadcast %add3A_68 : f32 to vector<1x128xf32>
      %add3A_70 = arith.addf %add3A_69, %exp3A : vector<1x128xf32>
      %div3A_71 = arith.constant 1.000000e+00 : f32
      %div3A_72 = vector.broadcast %div3A_71 : f32 to vector<1x128xf32>
      %div3A_73 = arith.divf %div3A_72, %add3A_70 : vector<1x128xf32>
      %max3A_74 = arith.constant 1.000000e-07 : f32
      %max3A_75 = vector.broadcast %max3A_74 : f32 to vector<1x128xf32>
      %max3A_76 = arith.maximumf %get3A_50, %max3A_75 : vector<1x128xf32>
      %div3A_77 = vector.broadcast %sub3A : f32 to vector<1x128xf32>
      %div3A_78 = arith.divf %div3A_77, %max3A_76 : vector<1x128xf32>
      %neg3A_79 = arith.constant 0.000000e+00 : f32
      %neg3A_80 = vector.broadcast %neg3A_79 : f32 to vector<1x128xf32>
      %neg3A_81 = arith.subf %neg3A_80, %div3A_78 : vector<1x128xf32>
      %exp3A_82 = math.exp %neg3A_81 : vector<1x128xf32>
      %add3A_83 = arith.constant 1.000000e+00 : f32
      %add3A_84 = vector.broadcast %add3A_83 : f32 to vector<1x128xf32>
      %add3A_85 = arith.addf %add3A_84, %exp3A_82 : vector<1x128xf32>
      %div3A_86 = arith.constant 1.000000e+00 : f32
      %div3A_87 = vector.broadcast %div3A_86 : f32 to vector<1x128xf32>
      %div3A_88 = arith.divf %div3A_87, %add3A_85 : vector<1x128xf32>
      %iota3A_89 = tpu.iota {dimensions = array<i32: 1>} : vector<1x128xi32>
      %eq3A_90 = arith.constant 0 : i32
      %eq3A_91 = vector.broadcast %eq3A_90 : i32 to vector<1x128xi32>
      %eq3A_92 = arith.cmpi eq, %iota3A_89, %eq3A_91 : vector<1x128xi32>
      %jit3A_93 = arith.constant 0.000000e+00 : f32
      %broadcast_in_dim3A_94 = vector.broadcast %jit3A_93 : f32 to vector<1x128xf32>
      %select_n3A = arith.select %eq3A_92, %broadcast_in_dim3A_94, %div3A_88 : vector<1x128xi1>, vector<1x128xf32>
      %swap3A_95 = arith.constant 0 : index
      %swap3A_96 = arith.constant 0 : index
      %swap3A_97 = vector.load %arg5[%swap3A_95, %swap3A_96] : memref<1x128xf32, #tpu.memory_space<vmem>>, vector<1x128xf32>
      tpu.vector_store %arg5[%swap3A_95, %swap3A_96], %div3A_73 {strides = array<i32>} : memref<1x128xf32, #tpu.memory_space<vmem>>, vector<1x128xf32>,
      %swap3A_98 = arith.constant 0 : index
      %swap3A_99 = arith.constant 0 : index
      %swap3A_100 = vector.load %arg6[%swap3A_98, %swap3A_99] : memref<1x128xf32, #tpu.memory_space<vmem>>, vector<1x128xf32>
      tpu.vector_store %arg6[%swap3A_98, %swap3A_99], %select_n3A {strides = array<i32>} : memref<1x128xf32, #tpu.memory_space<vmem>>, vector<1x128xf32>,
      %reshape3A = vector.shape_cast %div3A_73 : vector<1x128xf32> to vector<128xf32>
      %swap3A_101 = arith.constant 0 : index
      %swap3A_102 = vector.load %arg8[%swap3A_101] : memref<128xf32, #tpu.memory_space<vmem>>, vector<128xf32>
      tpu.vector_store %arg8[%swap3A_101], %reshape3A {strides = array<i32>} : memref<128xf32, #tpu.memory_space<vmem>>, vector<128xf32>,
      %max3A_103 = arith.constant 1.000000e-07 : f32
      %max3A_104 = arith.maximumf %max3A_103, %sub3A : f32
      %div3A_105 = arith.constant 1.000000e+00 : f32
      %div3A_106 = arith.divf %div3A_105, %max3A_104 : f32
      %broadcast_in_dim3A_107 = vector.broadcast %div3A_106 : f32 to vector<1x16xf32>
      %swap3A_108 = arith.constant 0 : index
      %swap3A_109 = arith.constant 0 : index
      %swap3A_110 = vector.load %arg7[%swap3A_108, %swap3A_109] : memref<1x16xf32, #tpu.memory_space<vmem>>, vector<1x16xf32>
      tpu.vector_store %arg7[%swap3A_108, %swap3A_109], %broadcast_in_dim3A_107 {strides = array<i32>} : memref<1x16xf32, #tpu.memory_space<vmem>>, vector<1x16xf32>,
    } else {
    }
    return
  }
  func.func @transform_0(%arg0: i32) -> (i32, i32) {
    %c0_i32 = arith.constant 0 : i32
    %c0_i32_0 = arith.constant 0 : i32
    return %arg0, %c0_i32 : i32, i32
  }
  func.func @transform_1(%arg0: i32) -> (i32, i32) {
    %c0_i32 = arith.constant 0 : i32
    %c0_i32_0 = arith.constant 0 : i32
    return %arg0, %c0_i32 : i32, i32
  }
  func.func @transform_2(%arg0: i32) -> i32 {
    %c0_i32 = arith.constant 0 : i32
    %c0_i32_0 = arith.constant 0 : i32
    return %c0_i32 : i32
  }
  func.func @transform_3(%arg0: i32) -> i32 {
    %c0_i32 = arith.constant 0 : i32
    %c0_i32_0 = arith.constant 0 : i32
    return %c0_i32 : i32
  }
  func.func @transform_4(%arg0: i32) -> (i32, i32) {
    %c0_i32 = arith.constant 0 : i32
    %c0_i32_0 = arith.constant 0 : i32
    %c0_i32_1 = arith.constant 0 : i32
    return %c0_i32, %c0_i32_0 : i32, i32
  }
  func.func @transform_5(%arg0: i32) -> (i32, i32) {
    %c0_i32 = arith.constant 0 : i32
    %c0_i32_0 = arith.constant 0 : i32
    %c0_i32_1 = arith.constant 0 : i32
    return %c0_i32, %c0_i32_0 : i32, i32
  }
  func.func @transform_6(%arg0: i32) -> (i32, i32) {
    %c0_i32 = arith.constant 0 : i32
    %c0_i32_0 = arith.constant 0 : i32
    %c0_i32_1 = arith.constant 0 : i32
    return %c0_i32, %c0_i32_0 : i32, i32
  }
  func.func @transform_7(%arg0: i32) -> i32 {
    %c0_i32 = arith.constant 0 : i32
    %c0_i32_0 = arith.constant 0 : i32
    return %c0_i32 : i32
  }
}

module attributes {stable_mosaic.version = 14 : i64} {
  func.func @_reg_body(%arg0: i32, %arg1: memref<3200x324xf32, #tpu.memory_space<vmem>>, %arg2: memref<3200x324xf32, #tpu.memory_space<vmem>>, %arg3: memref<3200x81xf32, #tpu.memory_space<vmem>>, %arg4: memref<1x128xf32, #tpu.memory_space<vmem>>, %arg5: memref<1x16xf32, #tpu.memory_space<vmem>>, %arg6: memref<1x1xf32, #tpu.memory_space<smem>>, %arg7: memref<1x1xf32, #tpu.memory_space<smem>>) attributes {dimension_semantics = [#tpu.dimension_semantics<arbitrary>], iteration_bounds = array<i64: 5>, scalar_prefetch = 0 : i64, scratch_operands = 1 : i64, tpu.core_type = #tpu.core_type<tc>, window_params = [{transform_indices = @transform_0, window_bounds = array<i64: 3200, 324>}, {transform_indices = @transform_1, window_bounds = array<i64: 3200, 324>}, {transform_indices = @transform_2, window_bounds = array<i64: 3200, 81>}, {pipeline_mode = #tpu.pipeline_mode<synchronous>, transform_indices = @transform_3, window_bounds = array<i64: 1, 128>}, {pipeline_mode = #tpu.pipeline_mode<synchronous>, transform_indices = @transform_4, window_bounds = array<i64: 1, 16>}, {transform_indices = @transform_5, window_bounds = array<i64: 1, 1>}]} {
    %get3A = arith.constant 0 : index
    %get3A_0 = arith.constant 0 : index
    %get3A_1 = vector.load %arg1[%get3A, %get3A_0] : memref<3200x324xf32, #tpu.memory_space<vmem>>, vector<3200x324xf32>
    %get3A_2 = arith.constant 0 : index
    %get3A_3 = arith.constant 0 : index
    %get3A_4 = vector.load %arg2[%get3A_2, %get3A_3] : memref<3200x324xf32, #tpu.memory_space<vmem>>, vector<3200x324xf32>
    %get3A_5 = arith.constant 0 : index
    %get3A_6 = arith.constant 0 : index
    %get3A_7 = vector.load %arg3[%get3A_5, %get3A_6] : memref<3200x81xf32, #tpu.memory_space<vmem>>, vector<3200x81xf32>
    %iota3A = tpu.iota {dimensions = array<i32: 1>} : vector<81x324xi32>
    %shift_right_arithmetic3A = arith.constant 2 : i32
    %shift_right_arithmetic3A_8 = vector.broadcast %shift_right_arithmetic3A : i32 to vector<81x324xi32>
    %shift_right_arithmetic3A_9 = arith.shrsi %iota3A, %shift_right_arithmetic3A_8 : vector<81x324xi32>
    %iota3A_10 = tpu.iota {dimensions = array<i32: 0>} : vector<81x324xi32>
    %eq3A = arith.cmpi eq, %shift_right_arithmetic3A_9, %iota3A_10 : vector<81x324xi32>
    %convert_element_type3A = arith.extui %eq3A : vector<81x324xi1> to vector<81x324xi32>
    %convert_element_type3A_11 = arith.sitofp %convert_element_type3A : vector<81x324xi32> to vector<81x324xf32>
    %get3A_12 = arith.constant 0 : index
    %get3A_13 = arith.constant 0 : index
    %get3A_14 = vector.load %arg4[%get3A_12, %get3A_13] : memref<1x128xf32, #tpu.memory_space<vmem>>, vector<1x128xf32>
    %slice3A = vector.extract_strided_slice %get3A_14 {offsets = [0, 0], sizes = [1, 81], strides = [1, 1]} : vector<1x128xf32> to vector<1x81xf32>
    %dot_general3A = arith.constant dense<0.000000e+00> : vector<1x324xf32>
    %dot_general3A_15 = tpu.matmul %slice3A, %convert_element_type3A_11, %dot_general3A {dimension_numbers = #tpu.dot_dimension_numbers<[1], [0], [0], [1], [0, 0, 1, 1], [], []>, transpose_lhs_hint = false} : vector<1x81xf32>, vector<81x324xf32>, vector<1x324xf32> -> vector<1x324xf32>
    %dot_general3A_16 = arith.constant dense<0.000000e+00> : vector<3200x324xf32>
    %dot_general3A_17 = tpu.matmul %get3A_7, %convert_element_type3A_11, %dot_general3A_16 {dimension_numbers = #tpu.dot_dimension_numbers<[1], [0], [0], [1], [0, 0, 1, 1], [], []>, transpose_lhs_hint = false} : vector<3200x81xf32>, vector<81x324xf32>, vector<3200x324xf32> -> vector<3200x324xf32>
    %mul3A = vector.broadcast %dot_general3A_15 : vector<1x324xf32> to vector<3200x324xf32>
    %mul3A_18 = arith.mulf %dot_general3A_17, %mul3A : vector<3200x324xf32>
    %sub3A = arith.subf %get3A_1, %get3A_4 : vector<3200x324xf32>
    %abs3A = math.absf %sub3A : vector<3200x324xf32>
    %mul3A_19 = arith.mulf %abs3A, %mul3A_18 : vector<3200x324xf32>
    %lt3A = arith.constant 1.000000e+00 : f32
    %lt3A_20 = vector.broadcast %lt3A : f32 to vector<3200x324xf32>
    %lt3A_21 = arith.cmpf olt, %mul3A_19, %lt3A_20 : vector<3200x324xf32>
    %mul3A_22 = arith.constant 5.000000e-01 : f32
    %mul3A_23 = vector.broadcast %mul3A_22 : f32 to vector<3200x324xf32>
    %mul3A_24 = arith.mulf %mul3A_23, %mul3A_19 : vector<3200x324xf32>
    %mul3A_25 = arith.mulf %mul3A_24, %mul3A_19 : vector<3200x324xf32>
    %sub3A_26 = arith.constant 5.000000e-01 : f32
    %sub3A_27 = vector.broadcast %sub3A_26 : f32 to vector<3200x324xf32>
    %sub3A_28 = arith.subf %mul3A_19, %sub3A_27 : vector<3200x324xf32>
    %select_n3A = arith.select %lt3A_21, %mul3A_25, %sub3A_28 : vector<3200x324xi1>, vector<3200x324xf32>
    %eq3A_29 = arith.constant 0 : i32
    %eq3A_30 = arith.cmpi eq, %arg0, %eq3A_29 : i32
    %convert_element_type3A_31 = arith.extui %eq3A_30 : i1 to i32
    %cond3A = arith.constant 0 : i32
    %cond3A_32 = arith.cmpi ne, %convert_element_type3A_31, %cond3A : i32
    scf.if %cond3A_32 {
      %swap3A_47 = arith.constant 0.000000e+00 : f32
      %swap3A_48 = arith.constant 0 : index
      %swap3A_49 = arith.constant 0 : index
      %swap3A_50 = memref.load %arg7[%swap3A_48, %swap3A_49] : memref<1x1xf32, #tpu.memory_space<smem>>
      memref.store %swap3A_47, %arg7[%swap3A_48, %swap3A_49] : memref<1x1xf32, #tpu.memory_space<smem>>
    } else {
    }
    %get3A_33 = arith.constant 0 : index
    %get3A_34 = arith.constant 0 : index
    %get3A_35 = memref.load %arg7[%get3A_33, %get3A_34] : memref<1x1xf32, #tpu.memory_space<smem>>
    %reduce_sum3A = vector.shape_cast %select_n3A : vector<3200x324xf32> to vector<1x3200x324xf32>
    %reduce_sum3A_36 = arith.constant dense<0.000000e+00> : vector<1xf32>
    %reduce_sum3A_37 = vector.multi_reduction <add>, %reduce_sum3A, %reduce_sum3A_36 [1, 2] : vector<1x3200x324xf32> to vector<1xf32>
    %reduce_sum3A_38 = vector.shape_cast %reduce_sum3A_37 : vector<1xf32> to vector<1x1x1xf32>
    %reduce_sum3A_39 = vector.extract %reduce_sum3A_38[0, 0, 0] : f32 from vector<1x1x1xf32>
    %add3A = arith.addf %get3A_35, %reduce_sum3A_39 : f32
    %swap3A = arith.constant 0 : index
    %swap3A_40 = arith.constant 0 : index
    %swap3A_41 = memref.load %arg7[%swap3A, %swap3A_40] : memref<1x1xf32, #tpu.memory_space<smem>>
    memref.store %add3A, %arg7[%swap3A, %swap3A_40] : memref<1x1xf32, #tpu.memory_space<smem>>
    %eq3A_42 = arith.constant 4 : i32
    %eq3A_43 = arith.cmpi eq, %arg0, %eq3A_42 : i32
    %convert_element_type3A_44 = arith.extui %eq3A_43 : i1 to i32
    %cond3A_45 = arith.constant 0 : i32
    %cond3A_46 = arith.cmpi ne, %convert_element_type3A_44, %cond3A_45 : i32
    scf.if %cond3A_46 {
      %get3A_47 = arith.constant 0 : index
      %get3A_48 = arith.constant 0 : index
      %get3A_49 = memref.load %arg7[%get3A_47, %get3A_48] : memref<1x1xf32, #tpu.memory_space<smem>>
      %get3A_50 = arith.constant 0 : index
      %get3A_51 = arith.constant 0 : index
      %get3A_52 = vector.load %arg5[%get3A_50, %get3A_51] : memref<1x16xf32, #tpu.memory_space<vmem>>, vector<1x1xf32>
      %get3A_53 = vector.extract %get3A_52[0, 0] : f32 from vector<1x1xf32>
      %mul3A_54 = arith.mulf %get3A_49, %get3A_53 : f32
      %swap3A_55 = arith.constant 0 : index
      %swap3A_56 = arith.constant 0 : index
      %swap3A_57 = memref.load %arg6[%swap3A_55, %swap3A_56] : memref<1x1xf32, #tpu.memory_space<smem>>
      memref.store %mul3A_54, %arg6[%swap3A_55, %swap3A_56] : memref<1x1xf32, #tpu.memory_space<smem>>
    } else {
    }
    return
  }
  func.func @transform_0(%arg0: i32) -> (i32, i32) {
    %c0_i32 = arith.constant 0 : i32
    %c0_i32_0 = arith.constant 0 : i32
    return %arg0, %c0_i32 : i32, i32
  }
  func.func @transform_1(%arg0: i32) -> (i32, i32) {
    %c0_i32 = arith.constant 0 : i32
    %c0_i32_0 = arith.constant 0 : i32
    return %arg0, %c0_i32 : i32, i32
  }
  func.func @transform_2(%arg0: i32) -> (i32, i32) {
    %c0_i32 = arith.constant 0 : i32
    %c0_i32_0 = arith.constant 0 : i32
    return %arg0, %c0_i32 : i32, i32
  }
  func.func @transform_3(%arg0: i32) -> (i32, i32) {
    %c0_i32 = arith.constant 0 : i32
    %c0_i32_0 = arith.constant 0 : i32
    %c0_i32_1 = arith.constant 0 : i32
    return %c0_i32, %c0_i32_0 : i32, i32
  }
  func.func @transform_4(%arg0: i32) -> (i32, i32) {
    %c0_i32 = arith.constant 0 : i32
    %c0_i32_0 = arith.constant 0 : i32
    %c0_i32_1 = arith.constant 0 : i32
    return %c0_i32, %c0_i32_0 : i32, i32
  }
  func.func @transform_5(%arg0: i32) -> (i32, i32) {
    %c0_i32 = arith.constant 0 : i32
    %c0_i32_0 = arith.constant 0 : i32
    %c0_i32_1 = arith.constant 0 : i32
    return %c0_i32, %c0_i32_0 : i32, i32
  }
}

</mosaic_0001>

<sc_bundles>
// kernel: kernel.5.cloned.1.call-start
scs
__scs_entry_jumppad:
0x0: {  	(pc) =	sbr.rel $0x88, $3  }
0x1: {  	(tag) =	ssettag $0x0;
	lr =	simm.s32 $0x1  }
0x2: {  	[smem:$0x3F9D] =	sst lr;
	_ =	strace $0xD0000000  }
0x3: {  	_ = 	snop  }
0x4: {  	_ = 	snop  }
0x5: {  	_ = 	snop  }
0x6: {  	_ = 	snop  }
0x7: {  	_ = 	snop  }
__scs_overlays_trampoline_lowered:
0x8: {  	[smem:$0x3FAC] =	sst s0  }
0x9: {  	[smem:$0x3FAD] =	sst s1  }
0xa: {  	[smem:$0x3FAE] =	sst s2  }
0xb: {  	[smem:$0x3FAF] =	sst s3  }
0xc: {  	[smem:$0x3FB0] =	sst s4  }
0xd: {  	[smem:$0x3FB1] =	sst s5  }
0xe: {  	[smem:$0x3FB2] =	sst s6  }
0xf: {  	[smem:$0x3FB3] =	sst s7  }
0x10: {  	[smem:$0x3FB4] =	sst s8  }
0x11: {  	[smem:$0x3FB5] =	sst s9;
	s0 =	simm.s32 @!p0 $0x0  }
0x12: {  	s1 =	sld [smem:$0x3F9B];
	s0 =	simm.s32 @p0 $0x1  }
0x13: {  	[smem:$0x3FB6] =	sst s0;
	s0 =	simm.s32 @!p1 $0x0  }
0x14: {  	s2 =	sld [smem:$0x3F9A];
	s0 =	simm.s32 @p1 $0x1  }
0x15: {  	[smem:$0x3FB7] =	sst s0;
	s0 =	simm.s32 @!p2 $0x0  }
0x16: {  	s3 =	sld [smem:$0x3FDB];
	s0 =	simm.s32 @p2 $0x1  }
0x17: {  	s4 =	simm.s32 $0x1BF5;
	[smem:$0x3FB9] =	sst s0  }
0x18: {  	s0 =	sld [smem:$0x3F9C];
	_ =	swait.ge [sflag:s4], $0x0  }
0x19: {  	s7 =	sld [smem:$0x3F9D]  }
0x1a: {  	s8 =	sadd.s32 $0xFFFFE003, lr  }
0x1b: {  	s9 =	sadd.s32 $0xFFFFFEF7, lr;
	s5 =	simm.s32 $0xFFFFFFFF;
	p2 =	slt.u32 s8, $0xFFFFF086  }
0x1c: {  	p1 =	slt.u32 s9, $0xF7A;
	s5 =	simm.s32 @!p2 $0x0  }
0x1d: {  	s5 =	simm.s32 @p1 $0x1;
	p0 =	seq.s32 s7, s2  }
0x1e: {  	s7 =	smul.u32 @!p0 $0xF7A, s2;
	p2 =	seq.s32 @!p0 s5, $0x0  }
0x1f: {  	s9 =	smul.u32 $0xF7A, s1;
	s8 =	simm.s32 @!p0 $0x1BF5;
	p2 =	por !p2, p0  }
0x20: {  	[sflag:s8] =	ssyncset.s32 @!p0 $0xFFFFF086;
	s6 =	sadd.s32 @!p0 s3, s7;
	s7 =	simm.s32 @!p0 $0x108  }
0x21: {  	s3 =	sadd.s32 s3, s9;
	s6 =	sadd.s32 @!p0 $0x88, s6;
	s7 =	simm.s32 @p2 $0x1082  }
0x22: {  	[simem:s7], [sflag:s8] =	dma.local @!p0 [hbm:s6], $0xF7A  }
0x23: {  	s9 =	sor.u32 $0xD0000000, s2;
	s6 =	simm.s32 $0x108;
	_ =	swait.ge @!p0 [sflag:s8], $0x0  }
0x24: {  	s3 =	sadd.s32 $0x88, s3;
	s6 =	simm.s32 @!p1 $0x1082;
	[sflag:s4] =	ssyncset.s32 $0xFFFFF086  }
0x25: {  	[simem:s6], [sflag:s4] =	dma.local [hbm:s3], $0xF7A  }
0x26: {  	[smem:$0x3F9D] =	sst s1;
	(tag) =	ssettag s2;
	_ =	strace s9  }
0x27: {  	s1 =	sld [smem:$0x3FAD]  }
0x28: {  	s2 =	sld [smem:$0x3FAE]  }
0x29: {  	s4 =	sld [smem:$0x3FB0]  }
0x2a: {  	p0 =	seq.s32 s5, $0x0;
	s5 =	sld [smem:$0x3FB1]  }
0x2b: {  	s6 =	sld [smem:$0x3FB2]  }
0x2c: {  	s7 =	sld [smem:$0x3FB3]  }
0x2d: {  	s3 =	simm.s32 $0x108;
	s8 =	sld [smem:$0x3FB4]  }
0x2e: {  	s3 =	simm.s32 @!p0 $0x1082;
	s9 =	sld [smem:$0x3FB5]  }
0x2f: {  	lr =	sadd.s32 s0, s3;
	s0 =	sld [smem:$0x3FAC]  }
0x30: {  	s3 =	sld [smem:$0x3FAF]  }
0x31: {  	[smem:$0x3FB8] =	sst s10  }
0x32: {  	s10 =	sld [smem:$0x3FB6];
	_ =	sdelay $0x3  }
0x33: {  	p0 =	seq.s32 s10, $0x1;
	s10 =	sld [smem:$0x3FB8];
	_ =	sdelay $0x3  }
0x34: {  	[smem:$0x3FB8] =	sst s10  }
0x35: {  	s10 =	sld [smem:$0x3FB7];
	_ =	sdelay $0x3  }
0x36: {  	p1 =	seq.s32 s10, $0x1;
	s10 =	sld [smem:$0x3FB8];
	_ =	sdelay $0x3  }
0x37: {  	[smem:$0x3FB8] =	sst s10  }
0x38: {  	s10 =	sld [smem:$0x3FB9]  }
0x39: {  	_ = 	snop;
	(pc) =	sbr.ind lr, $3  }
0x3a: {  	_ = 	snop  }
0x3b: {  	_ = 	snop  }
0x3c: {  	p2 =	seq.s32 s10, $0x1;
	s10 =	sld [smem:$0x3FB8]  }
0x3d: {  	_ =	shalt  }
0x3e: {  	_ =	shalt  }
0x3f: {  	_ =	shalt  }
0x40: {  	_ =	shalt  }
0x41: {  	_ =	shalt  }
0x42: {  	_ =	shalt  }
0x43: {  	_ =	shalt  }
0x44: {  	_ =	shalt  }
0x45: {  	_ =	shalt  }
0x46: {  	_ =	shalt  }
0x47: {  	_ =	shalt  }
0x48: {  	_ =	shalt  }
0x49: {  	_ =	shalt  }
0x4a: {  	_ =	shalt  }
0x4b: {  	_ =	shalt  }
0x4c: {  	_ =	shalt  }
0x4d: {  	_ =	shalt  }
0x4e: {  	_ =	shalt  }
0x4f: {  	_ =	shalt  }
0x50: {  	_ =	shalt  }
0x51: {  	_ =	shalt  }
0x52: {  	_ =	shalt  }
0x53: {  	_ =	shalt  }
0x54: {  	_ =	shalt  }
0x55: {  	_ =	shalt  }
0x56: {  	_ =	shalt  }
0x57: {  	_ =	shalt  }
0x58: {  	_ =	shalt  }
0x59: {  	_ =	shalt  }
0x5a: {  	_ =	shalt  }
0x5b: {  	_ =	shalt  }
0x5c: {  	_ =	shalt  }
0x5d: {  	_ =	shalt  }
0x5e: {  	_ =	shalt  }
0x5f: {  	_ =	shalt  }
0x60: {  	_ =	shalt  }
0x61: {  	_ =	shalt  }
0x62: {  	_ =	shalt  }
0x63: {  	_ =	shalt  }
0x64: {  	_ =	shalt  }
0x65: {  	_ =	shalt  }
0x66: {  	_ =	shalt  }
0x67: {  	_ =	shalt  }
0x68: {  	_ =	shalt  }
0x69: {  	_ =	shalt  }
0x6a: {  	_ =	shalt  }
0x6b: {  	_ =	shalt  }
0x6c: {  	_ =	shalt  }
0x6d: {  	_ =	shalt  }
0x6e: {  	_ =	shalt  }
0x6f: {  	_ =	shalt  }
0x70: {  	_ =	shalt  }
0x71: {  	_ =	shalt  }
0x72: {  	_ =	shalt  }
0x73: {  	_ =	shalt  }
0x74: {  	_ =	shalt  }
0x75: {  	_ =	shalt  }
0x76: {  	_ =	shalt  }
0x77: {  	_ =	shalt  }
0x78: {  	_ =	shalt  }
0x79: {  	_ =	shalt  }
0x7a: {  	_ =	shalt  }
0x7b: {  	_ =	shalt  }
0x7c: {  	_ =	shalt  }
0x7d: {  	_ =	shalt  }
0x7e: {  	_ =	shalt  }
0x7f: {  	_ =	shalt  }
0x80: {  	_ =	shalt  }
0x81: {  	_ =	shalt  }
0x82: {  	_ =	shalt  }
0x83: {  	_ =	shalt  }
0x84: {  	_ =	shalt  }
0x85: {  	_ =	shalt  }
0x86: {  	_ =	shalt  }
0x87: {  	_ =	shalt  }
.Lfunc_end0:
.L_simem_size_0:
called_computation_lowered:
.L_overlay_start_0:
0x88: {  	s2 =	sld [smem:$0x3FD9]  }
0x89: {  	s3 =	sld [smem:$0x3FFE];
	_ =	sdelay $0x1  }
0x8a: {  	s1 =	srdreg.scid  }
0x8b: {  	s0 =	sand.u32 $0x1, s1  }
0x8c: {  	s17 =	sshll.u32 s0, $0xA;
	s2 =	sadd.s32 s3, s2  }
0x8d: {  	s2 =	sadd.s32 s2, s17  }
0x8e: {  	[smem:$0x3FC4] =	sst s2  }
0x8f: {  	_ = 	snop  }
0x90: {  	s2 =	sld [smem:$0x3FD0];
	(tm) =	ssettm $0x1  }
0x91: {  	s18 =	sld [smem:$0x3FFB];
	_ =	sdelay $0x3  }
0x92: {  	_ =	strace s18  }
0x93: {  	s3 =	sld [smem:$0x3FFC];
	_ =	sdelay $0x3  }
0x94: {  	_ =	strace s3  }
0x95: {  	s3 =	sld [smem:$0x3FFD];
	_ =	sdelay $0x3  }
0x96: {  	_ =	strace s3  }
0x97: {  	_ =	strace $0x8FFFFFFF  }
0x98: {  	s19 =	sld [smem:$0x3FDB];
	_ =	sdelay $0x1  }
0x99: {  	s4 =	simm.s32 $_scs_section_size  }
0x9a: {  	s5 =	simm.s32 $_size__tile_overlayer_lowered;
	s6 =	simm.s32 $_tile_overlayer_lowered  }
0x9b: {  	s22 =	simm.s32 $0x1BFF;
	s21 =	sshll.u32 s6, $0x1;
	s3 =	sadd.s32 s4, s19  }
0x9c: {  	s7 =	simm.s32 $0x0;
	s20 =	sshll.u32 s5, $0x1;
	s5 =	sadd.s32 s21, s3  }
0x9d: {  	[timem:s7], [sflag:s22] =	dma.local [hbm:s5], s20  }
0x9e: {  	_ =	swait.ge [sflag:s22], s20  }
0x9f: {  	s4 =	ssub.s32 $0x0, s20;
	[sflag:s22] =	ssyncset.done $0x0  }
0xa0: {  	[sflag:s22] =	ssyncadd.s32 s4;
	_ =	sdelay $0x1  }
0xa1: {  	s23 =	simm.s32 $0x1B8B  }
0xa2: {  	_ =	swait.ge [sflag:s23], $0x1  }
0xa3: {  	[sflag:s23] =	ssyncset.done $0x0  }
0xa4: {  	s25 =	simm.s32 $0x1B8E;
	s24 =	sld [smem:$0x3FFE];
	[sflag:s23] =	ssyncadd.s32 $0xFFFFFFFF  }
0xa5: {  	s26 =	simm.s32 $execute0_lowered;
	[smem:$0x3FD2] =	sst s25  }
0xa6: {  	s5 =	sshll.u32 s26, $0x1;
	_ =	strace $0x80000046;
	[dreg:$0x1] =	wrdreg $0xFFFFFFFF  }
0xa7: {  	s28 =	simm.s32 $_size_execute0_lowered;
	s3 =	sadd.s32 s3, s5;
	[dreg:$0x0] =	wrdreg $0x0  }
0xa8: {  	s5 =	sshll.u32 s28, $0x1;
	[dreg:$0x2] =	wrdreg s3  }
0xa9: {  	[dreg:$0x3] =	wrdreg s5  }
0xaa: {  	[dreg:$0x4] =	wrdreg $0xC0  }
0xab: {  	_ =	task [dreg:s7], $0x5FFFF  }
0xac: {  	[dreg:$0x1] =	wrdreg $0xFFFFFFFF  }
0xad: {  	[dreg:$0x0] =	wrdreg $0x60  }
0xae: {  	[dreg:$0x2] =	wrdreg s24  }
0xaf: {  	[dreg:$0x3] =	wrdreg s2  }
0xb0: {  	[dreg:$0x4] =	wrdreg $0x9  }
0xb1: {  	_ =	task.clear_ibuf [dreg:s7], $0x5FFFF;
	_ =	strace $0x90000046  }
0xb2: {  	s29 =	simm.s32 $0x9;
	_ =	strace $0x80000048  }
0xb3: {  	_ =	swait.ge [sflag:s29], $0x1  }
0xb4: {  	[sflag:s29] =	ssyncadd.s32 $0xFFFFFFFF  }
0xb5: {  	_ =	strace $0x90000048  }
0xb6: {  	_ =	sfence  }
0xb7: {  	s30 =	sld [smem:$0x0];
	_ =	sdelay $0x2  }
0xb8: {  	s31 =	sshll.u32 s1, $0xD;
	s1 =	sshrl.u32 s1, $0x2  }
0xb9: {  	s3 =	sand.u32 $0x4000, s31;
	s1 =	sadd.s32 s1, s30  }
0xba: {  	s0 =	sor.u32 s3, s0;
	s1 =	sshll.u32 s1, $0x11  }
0xbb: {  	s0 =	sor.u32 s1, s0  }
0xbc: {  	s0 =	sadd.s32 $0x8F2B, s0  }
0xbd: {  	[sflag:s0] =	ssyncadd.remote.s32 $0x1  }
0xbe: {  	_ =	sfence.sel $0xFFFF  }
0xbf: {  	[dreg:$0x0] =	wrdreg $0xFFFFFFFF;
	(pc) =	sbr.abs _section_cstart, $3  }
0xc0: {  	[dreg:$0x1] =	wrdreg $0xFFFFFFFF  }
0xc1: {  	_ =	task.clear_ibuf [dreg:s7], $0x2FFFF;
	_ =	strace $0x9FFFFFFF  }
0xc2: {  	(tm) =	ssettm $0x7FFFFFFF  }
0xc3: {  	_ =	shalt  }
tec
execute0_lowered:
.L_overlay_start_1:
0x0: {  	(tag) =	ssettag $0x1  }
0x1: {  	s4 =	rddreg [dreg:$0x0]  }
0x2: {  	s2 =	rddreg [dreg:$0x1]  }
0x3: {  	s0 =	rddreg [dreg:$0x2];
	s3 =	simm.s32 $0x0;
	s5 =	srdreg.scid  }
0x4: {  	s1 =	stileid.u32;
	s9 =	simm.s32 $0x200;
	s10 =	simm.s32 $0x400  }
0x5: {  	[smem:$0x7FF] =	sst s3;
	s5 =	sand.u32 $0x1, s5;
	s6 =	sshll.u32 s1, $0x1  }
0x6: {  	s11 =	simm.s32 $0x480;
	_ =	strace $0x80000047;
	s6 =	sor.u32 s5, s6  }
0x7: {  	s5 =	ssub.s32 $0x2, s5;
	s7 =	sshll.u32 s6, $0x6;
	s6 =	sshll.u32 s6, $0x1  }
0x8: {  	s31 =	sshrl.u32 s5, $0x1;
	s7 =	sadd.s32 s7, s4;
	s6 =	sadd.s32 s6, s4  }
0x9: {  	s8 =	ssub.s32 s5, s31;
	s4 =	sadd.s32 $0x1C00, s7;
	s5 =	sadd.s32 $0x2400, s7  }
0xa: {  	s6 =	sadd.s32 $0x2C00, s6;
	s7 =	smax.u32 s8, $0x1;
	s8 =	simm.s32 $0x1  }
.LBB2_1:
0xb: {  	[tilespmem:s3], [sflag:$0x1] =	stream.linear.gather [hbm4b:s4+s3], $0x200, $0x38;
	[tilespmem:$0x490] =	vst v63  }
0xc: {  	_ =	swait.ge [sflag:s8], $0x200  }
0xd: {  	[sflag:s8] =	ssyncset.done $0x0  }
0xe: {  	[sflag:s8] =	ssyncadd.s32 $0xFFFFFE00  }
0xf: {  	[tilespmem:s9], [sflag:$0x1] =	stream.linear.gather [hbm4b:s5+s3], $0x200, $0x38;
	[tilespmem:$0x490] =	vst v63  }
0x10: {  	_ =	swait.ge [sflag:s8], $0x200  }
0x11: {  	[sflag:s8] =	ssyncset.done $0x0  }
0x12: {  	[sflag:s8] =	ssyncadd.s32 $0xFFFFFE00  }
0x13: {  	[tilespmem:s10], [sflag:$0x1] =	stream.linear.gather [hbm4b:s2+s3], $0x80, $0x38;
	[tilespmem:$0x490] =	vst v63  }
0x14: {  	_ =	swait.ge [sflag:s8], $0x80  }
0x15: {  	[sflag:s8] =	ssyncset.done $0x0  }
0x16: {  	[sflag:s8] =	ssyncadd.s32 $0xFFFFFF80  }
0x17: {  	v0 =	vld [tilespmem:$0x0]  }
0x18: {  	v1 =	vld [tilespmem:$0x10]  }
0x19: {  	v2 =	vld [tilespmem:$0x20]  }
0x1a: {  	v3 =	vld [tilespmem:$0x30]  }
0x1b: {  	v4 =	vld [tilespmem:$0x200]  }
0x1c: {  	v5 =	vld [tilespmem:$0x40]  }
0x1d: {  	v6 =	vld [tilespmem:$0x210]  }
0x1e: {  	v7 =	vld [tilespmem:$0x50]  }
0x1f: {  	v8 =	vld [tilespmem:$0x220]  }
0x20: {  	v9 =	vld [tilespmem:$0x60]  }
0x21: {  	v10 =	vld [tilespmem:$0x230]  }
0x22: {  	v11 =	vld [tilespmem:$0x70]  }
0x23: {  	v12 =	vld [tilespmem:$0x240]  }
0x24: {  	v13 =	vld [tilespmem:$0x80]  }
0x25: {  	v14 =	vld [tilespmem:$0x250]  }
0x26: {  	v15 =	vld [tilespmem:$0x90]  }
0x27: {  	v16 =	vld [tilespmem:$0x260]  }
0x28: {  	v17 =	vld [tilespmem:$0xA0]  }
0x29: {  	v18 =	vld [tilespmem:$0x270]  }
0x2a: {  	v19 =	vld [tilespmem:$0xB0]  }
0x2b: {  	v20 =	vld [tilespmem:$0x280]  }
0x2c: {  	v21 =	vld [tilespmem:$0xC0]  }
0x2d: {  	v22 =	vld [tilespmem:$0x290]  }
0x2e: {  	v23 =	vld [tilespmem:$0xD0]  }
0x2f: {  	v24 =	vld [tilespmem:$0x2A0]  }
0x30: {  	v25 =	vld [tilespmem:$0xE0]  }
0x31: {  	v32 =	vld [tilespmem:$0x2B0]  }
0x32: {  	v33 =	vld [tilespmem:$0xF0]  }
0x33: {  	v26 =	vld [tilespmem:$0x2C0]  }
0x34: {  	v36 =	vld [tilespmem:$0x100]  }
0x35: {  	v38 =	vld [tilespmem:$0x2D0]  }
0x36: {  	v41 =	vld [tilespmem:$0x110]  }
0x37: {  	v42 =	vld [tilespmem:$0x2E0]  }
0x38: {  	v0 =	vld.idx.msk [tilespmem:v0+s10+$0x0], $0xffff  }
0x39: {  	v44 =	vld [tilespmem:$0x120]  }
0x3a: {  	v1 =	vld.idx.msk [tilespmem:v1+s10+$0x0], $0xffff  }
0x3b: {  	v46 =	vld [tilespmem:$0x2F0]  }
0x3c: {  	v2 =	vld.idx.msk [tilespmem:v2+s10+$0x0], $0xffff  }
0x3d: {  	v48 =	vld [tilespmem:$0x130];
	v0 =	vmul.f32 v4, v0  }
0x3e: {  	v3 =	vld.idx.msk [tilespmem:v3+s10+$0x0], $0xffff  }
0x3f: {  	v49 =	vld [tilespmem:$0x300];
	v1 =	vmul.f32 v6, v1;
	v0 =	vadd.f32 $0.0e+00, v0  }
0x40: {  	v5 =	vld.idx.msk [tilespmem:v5+s10+$0x0], $0xffff  }
0x41: {  	v51 =	vld [tilespmem:$0x140];
	v34 =	vmul.f32 v8, v2;
	v0 =	vadd.f32 v1, v0  }
0x42: {  	v7 =	vld.idx.msk [tilespmem:v7+s10+$0x0], $0xffff  }
0x43: {  	v53 =	vld [tilespmem:$0x310];
	v37 =	vmul.f32 v10, v3;
	v0 =	vadd.f32 v34, v0  }
0x44: {  	v9 =	vld.idx.msk [tilespmem:v9+s10+$0x0], $0xffff  }
0x45: {  	v55 =	vld [tilespmem:$0x150];
	v40 =	vmul.f32 v12, v5;
	v0 =	vadd.f32 v37, v0  }
0x46: {  	v11 =	vld.idx.msk [tilespmem:v11+s10+$0x0], $0xffff  }
0x47: {  	v56 =	vld [tilespmem:$0x320];
	v43 =	vmul.f32 v14, v7;
	v0 =	vadd.f32 v40, v0  }
0x48: {  	v13 =	vld.idx.msk [tilespmem:v13+s10+$0x0], $0xffff  }
0x49: {  	v59 =	vld [tilespmem:$0x160];
	v45 =	vmul.f32 v16, v9;
	v0 =	vadd.f32 v43, v0  }
0x4a: {  	v15 =	vld.idx.msk [tilespmem:v15+s10+$0x0], $0xffff  }
0x4b: {  	v61 =	vld [tilespmem:$0x330];
	v47 =	vmul.f32 v18, v11;
	v0 =	vadd.f32 v45, v0  }
0x4c: {  	v17 =	vld.idx.msk [tilespmem:v17+s10+$0x0], $0xffff  }
0x4d: {  	v63 =	vld [tilespmem:$0x170];
	v50 =	vmul.f32 v20, v13;
	v0 =	vadd.f32 v47, v0  }
0x4e: {  	v19 =	vld.idx.msk [tilespmem:v19+s10+$0x0], $0xffff  }
0x4f: {  	v27 =	vld [tilespmem:$0x190];
	v52 =	vmul.f32 v22, v15;
	v0 =	vadd.f32 v50, v0  }
0x50: {  	v21 =	vld.idx.msk [tilespmem:v21+s10+$0x0], $0xffff  }
0x51: {  	v28 =	vld [tilespmem:$0x360];
	v54 =	vmul.f32 v24, v17;
	v0 =	vadd.f32 v52, v0  }
0x52: {  	v35 =	vld.idx.msk [tilespmem:v23+s10+$0x0], $0xffff  }
0x53: {  	v30 =	vld [tilespmem:$0x1A0];
	v57 =	vmul.f32 v32, v19;
	v0 =	vadd.f32 v54, v0  }
0x54: {  	v39 =	vld.idx.msk [tilespmem:v25+s10+$0x0], $0xffff  }
0x55: {  	v58 =	vld.idx.msk [tilespmem:v48+s10+$0x0], $0xffff;
	v60 =	vmul.f32 v26, v21;
	v0 =	vadd.f32 v57, v0  }
0x56: {  	v6 =	vld.idx.msk [tilespmem:v33+s10+$0x0], $0xffff  }
0x57: {  	v25 =	vld.idx.msk [tilespmem:v59+s10+$0x0], $0xffff;
	v62 =	vmul.f32 v38, v35;
	v0 =	vadd.f32 v60, v0  }
0x58: {  	v8 =	vld.idx.msk [tilespmem:v36+s10+$0x0], $0xffff  }
0x59: {  	v48 =	vld [tilespmem:$0x1F0];
	v20 =	vmul.f32 v42, v39;
	v0 =	vadd.f32 v62, v0  }
0x5a: {  	v5 =	vld.idx.msk [tilespmem:v41+s10+$0x0], $0xffff  }
0x5b: {  	v7 =	vld.idx.msk [tilespmem:v44+s10+$0x0], $0xffff;
	v23 =	vmul.f32 v46, v6;
	v0 =	vadd.f32 v20, v0  }
0x5c: {  	v13 =	vld.idx.msk [tilespmem:v51+s10+$0x0], $0xffff  }
0x5d: {  	v19 =	vld [tilespmem:$0x340];
	v26 =	vmul.f32 v49, v8;
	v0 =	vadd.f32 v23, v0  }
0x5e: {  	v21 =	vld.idx.msk [tilespmem:v55+s10+$0x0], $0xffff  }
0x5f: {  	v22 =	vld [tilespmem:$0x180];
	v29 =	vmul.f32 v53, v5;
	v0 =	vadd.f32 v26, v0  }
0x60: {  	v24 =	vld [tilespmem:$0x350]  }
0x61: {  	v2 =	vld.idx.msk [tilespmem:v63+s10+$0x0], $0xffff;
	v31 =	vmul.f32 v56, v7;
	v0 =	vadd.f32 v29, v0  }
0x62: {  	v32 =	vld [tilespmem:$0x370]  }
0x63: {  	v33 =	vmul.f32 v61, v58;
	v35 =	vld [tilespmem:$0x1B0];
	v0 =	vadd.f32 v31, v0  }
0x64: {  	v38 =	vld [tilespmem:$0x390]  }
0x65: {  	v42 =	vld [tilespmem:$0x1D0];
	v36 =	vmul.f32 v19, v13;
	v0 =	vadd.f32 v33, v0  }
0x66: {  	v34 =	vld [tilespmem:$0x380]  }
0x67: {  	v39 =	vmul.f32 v24, v21;
	v40 =	vld [tilespmem:$0x1C0];
	v0 =	vadd.f32 v36, v0  }
0x68: {  	v12 =	vld.idx.msk [tilespmem:v22+s10+$0x0], $0xffff  }
0x69: {  	v41 =	vmul.f32 v28, v25;
	v5 =	vld.idx.msk [tilespmem:v30+s10+$0x0], $0xffff;
	v0 =	vadd.f32 v39, v0  }
0x6a: {  	v37 =	vld.idx.msk [tilespmem:v27+s10+$0x0], $0xffff  }
0x6b: {  	v44 =	vmul.f32 v32, v2;
	v45 =	vld [tilespmem:$0x1E0];
	v0 =	vadd.f32 v41, v0  }
0x6c: {  	v43 =	vld [tilespmem:$0x3A0]  }
0x6d: {  	v49 =	vld [tilespmem:$0x3B0];
	v47 =	vmul.f32 v34, v12;
	v0 =	vadd.f32 v44, v0  }
0x6e: {  	v46 =	vld.idx.msk [tilespmem:v35+s10+$0x0], $0xffff  }
0x6f: {  	v50 =	vmul.f32 v38, v37;
	v51 =	vld.idx.msk [tilespmem:v40+s10+$0x0], $0xffff;
	v0 =	vadd.f32 v47, v0  }
0x70: {  	v52 =	vld [tilespmem:$0x3C0]  }
0x71: {  	v55 =	vld [tilespmem:$0x3D0];
	v53 =	vmul.f32 v43, v5;
	v0 =	vadd.f32 v50, v0  }
0x72: {  	v54 =	vld.idx.msk [tilespmem:v42+s10+$0x0], $0xffff  }
0x73: {  	v56 =	vmul.f32 v49, v46;
	v2 =	vld.idx.msk [tilespmem:v45+s10+$0x0], $0xffff;
	v0 =	vadd.f32 v53, v0  }
0x74: {  	v57 =	vld [tilespmem:$0x3E0]  }
0x75: {  	v59 =	vld.idx.msk [tilespmem:v48+s10+$0x0], $0xffff;
	v58 =	vmul.f32 v52, v51;
	v0 =	vadd.f32 v56, v0  }
0x76: {  	v60 =	vld [tilespmem:$0x3F0]  }
0x77: {  	v61 =	vmul.f32 v55, v54;
	v0 =	vadd.f32 v58, v0;
	_ =	sdelay $0x1  }
0x78: {  	v62 =	vmul.f32 v57, v2;
	v0 =	vadd.f32 v61, v0;
	_ =	sdelay $0x1  }
0x79: {  	v63 =	vmul.f32 v60, v59;
	v0 =	vadd.f32 v62, v0;
	_ =	sdelay $0x1  }
0x7a: {  	v0 =	vadd.f32 v63, v0;
	_ =	sdelay $0x1  }
0x7b: {  	v0 =	vmul.f32 $6.250000300e-05, v0  }
0x7c: {  	p0 =	sne.s32 s7, $0x1  }
.Ltmp0:
0x7d: {  	[tilespmem:$0x480] =	vst v0;
	(pc) =	sbr.rel @p0 .LBB2_1-.Ltmp0, $4  }
0x7e: {  	[hbm4b:s6+s3] =	stream.linear.scatter [tilespmem:s11], [sflag:$0x1], $0x10, $0x38;
	[tilespmem:$0x490] =	vst v63  }
0x7f: {  	_ =	swait.ge [sflag:s8], $0x10  }
0x80: {  	[sflag:s8] =	ssyncset.done $0x0  }
0x81: {  	s7 =	sadd.s32 $0xFFFFFFFF, s7;
	[sflag:s8] =	ssyncadd.s32 $0xFFFFFFF0  }
0x82: {  	_ =	sfence.sel $0x180000  }
0x83: {  	[bflag:$0x0] =	sbarrier.arrive $0xFFFF  }
0x84: {  	p0 =	sne.s32 s1, $0x0;
	_ =	strace $0x90000047  }
0x85: {  	s0 =	sadd.s32 @!p0 $0x100000, s0;
	[bflag:$0x2] =	sbarrier.arrive $0xFFFF  }
0x86: {  	[sflag:s0] =	ssyncadd.tile.s32 @!p0 $0x1;
	_ =	shalt  }
.Lfunc_end2:
_tile_overlayer_lowered:
.L_overlay_start_2:
0x87: {  	(tag) =	ssettag $0x2  }
0x88: {  	s0 =	rddreg [dreg:$0x0];
	s2 =	stileid.u32  }
0x89: {  	s1 =	rddreg [dreg:$0x1];
	p0 =	sne.s32 s2, $0x0  }
0x8a: {  	s3 =	rddreg [dreg:$0x2];
	[bflag:$0x3] =	sbarrier.arrive $0xFFFF;
	s2 =	simm.s32 @!p0 $0x1C01  }
0x8b: {  	[timem:s3], [sflag:s2] =	dma.local @!p0 [hbm:s0], s1  }
0x8c: {  	s0 =	simm.s32 @!p0 $0x1  }
0x8d: {  	_ =	swait.ge @!p0 [sflag:s0], s1  }
0x8e: {  	s1 =	ssub.s32 @!p0 $0x0, s1;
	[sflag:s0] =	ssyncset.done @!p0 $0x0  }
0x8f: {  	[sflag:s0] =	ssyncadd.s32 @!p0 s1  }
0x90: {  	[bflag:$0x3] =	sbarrier.arrive $0xFFFF  }
0x91: {  	_ =	shalt  }

</sc_bundles>
